<compile_context>
chip_gen: v7x
topology: tpu7x:2x2x1
jax: 0.10.2.dev20260603
libtpu: 0.0.44.dev20260713+nightly
codegen_flags: <defaults>
</compile_context>

<pallas_src>
import functools

import jax
import jax.numpy as jnp
import numpy as np
from jax import lax
from jax.experimental import pallas as pl
from jax.experimental.pallas import tpu as pltpu
from jax.experimental.pallas import tpu_sc as plsc

B, S, D = 4, 2048, 1024
DK = 64
H = 16
KK = 15
NR = B * DK
DCH = 4
FB = 256
NFB = S // FB
PREC = lax.Precision.HIGHEST
NF = S // 2
NFB2 = NF // FB
_TWO_PI_OVER_S = float(2.0 * np.pi / S)

SC_NC = 2
SC_NS = 16
SC_NW = SC_NC * SC_NS
ROWS_PER_W = NR // SC_NW


def _proj_kernel(q_ref, k_ref, v_ref, wq_ref, bqr_ref, bqc_ref,
                 qa_ref, ka_ref, vt_ref):
    d = pl.program_id(1)
    w = wq_ref[...].astype(jnp.bfloat16)
    qp = jnp.dot(q_ref[0].astype(jnp.bfloat16), w,
                 preferred_element_type=jnp.float32)
    kp = jnp.dot(k_ref[0].astype(jnp.bfloat16), w,
                 preferred_element_type=jnp.float32)
    vp = lax.dot_general(w, v_ref[0].astype(jnp.bfloat16),
                         (((0,), (1,)), ((), ())),
                         preferred_element_type=jnp.float32)

    @pl.when(d == 0)
    def _():
        qa_ref[0] = qp + bqr_ref[...]
        ka_ref[0] = kp + bqr_ref[...]
        vt_ref[0] = vp + bqc_ref[...]

    @pl.when(d != 0)
    def _():
        qa_ref[0] = qa_ref[0] + qp
        ka_ref[0] = ka_ref[0] + kp
        vt_ref[0] = vt_ref[0] + vp


def _dft_block(row0):
    r_idx = lax.broadcasted_iota(jnp.int32, (FB, S), 0) + row0
    t_idx = lax.broadcasted_iota(jnp.int32, (FB, S), 1)
    prod = (r_idx * t_idx) & (S - 1)
    theta = prod.astype(jnp.float32) * _TWO_PI_OVER_S
    return jnp.cos(theta), jnp.sin(theta)


def _dot3(a, b):
    a_hi = a.astype(jnp.bfloat16)
    a_lo = (a - a_hi.astype(jnp.float32)).astype(jnp.bfloat16)
    b_hi = b.astype(jnp.bfloat16)
    b_lo = (b - b_hi.astype(jnp.float32)).astype(jnp.bfloat16)

    def d(x, y):
        return jnp.dot(x, y, preferred_element_type=jnp.float32)

    return d(a_hi, b_hi) + (d(a_hi, b_lo) + d(a_lo, b_hi))


def _dft_block_rect(row0):
    r_idx = lax.broadcasted_iota(jnp.int32, (FB, NF), 0) + row0
    f_idx = lax.broadcasted_iota(jnp.int32, (FB, NF), 1)
    prod = (r_idx * f_idx) & (S - 1)
    theta = prod.astype(jnp.float32) * _TWO_PI_OVER_S
    return jnp.cos(theta), jnp.sin(theta)


def _fwd1_kernel(qa_ref, ka_ref, sr_ref, si_ref, nyq_ref):
    fb = pl.program_id(0)
    fc, fs = _dft_block(fb * FB)
    qa = jnp.concatenate([qa_ref[b] for b in range(B)], axis=1)
    ka = jnp.concatenate([ka_ref[b] for b in range(B)], axis=1)
    qr = _dot3(fc, qa)
    qi = -_dot3(fs, qa)
    kr = _dot3(fc, ka)
    ki = -_dot3(fs, ka)
    f_col = lax.broadcasted_iota(jnp.int32, (FB, 1), 0) + fb * FB
    sc = jnp.where(f_col == 0, 1.0 / S, 2.0 / S)
    sr_ref[...] = (qr * kr + qi * ki) * sc
    si_ref[...] = (qi * kr - qr * ki) * sc

    @pl.when(fb == 0)
    def _():
        alt = (1 - 2 * (lax.broadcasted_iota(jnp.int32, (S, 1), 0) & 1)
               ).astype(jnp.float32)
        qn = jnp.sum(qa * alt, axis=0, keepdims=True)
        kn = jnp.sum(ka * alt, axis=0, keepdims=True)
        nyq_ref[...] = qn * kn * (1.0 / S)


def _inv1_kernel(sr_ref, si_ref, nyq_ref, abs_ref):
    tb = pl.program_id(0)
    fc, fs = _dft_block_rect(tb * FB)
    c = _dot3(fc, sr_ref[...])
    d = _dot3(fs, si_ref[...])
    alt = (1 - 2 * (lax.broadcasted_iota(jnp.int32, (FB, 1), 0) + tb * FB & 1)
           ).astype(jnp.float32)
    abs_ref[...] = jnp.abs(c - d + alt * nyq_ref[...])


def _topk_kernel(abs_ref, w_ref, lag_ref):
    x = abs_ref[...]
    iota = lax.broadcasted_iota(jnp.int32, (S, NR), 0)
    vals = []
    lags = []
    for _ in range(KK):
        m = jnp.max(x, axis=0, keepdims=True)
        hit = x == m
        am = jnp.min(jnp.where(hit, iota, S), axis=0, keepdims=True)
        vals.append(m)
        lags.append(am)
        x = jnp.where(iota == am, -1.0, x)
    v15 = jnp.concatenate(vals, axis=0)
    e = jnp.exp(v15 - v15[0:1])
    w15 = e / jnp.sum(e, axis=0, keepdims=True)
    w16 = jnp.concatenate(
        [w15, jnp.zeros((1, NR), jnp.float32)], axis=0)
    lag16 = jnp.concatenate(
        lags + [jnp.zeros((1, NR), jnp.int32)], axis=0)
    sel = (lax.broadcasted_iota(jnp.int32, (16, 256), 1) // 16
           == lax.broadcasted_iota(jnp.int32, (16, 256), 0)
           ).astype(jnp.float32)
    w_ref[...] = lax.dot_general(w16, sel, (((0,), (0,)), ((), ())),
                                 preferred_element_type=jnp.float32,
                                 precision=PREC)
    lagf = lax.dot_general(lag16.astype(jnp.float32), sel,
                           (((0,), (0,)), ((), ())),
                           preferred_element_type=jnp.float32,
                           precision=PREC)
    lag_ref[...] = (lagf + 0.5).astype(jnp.int32)


@functools.cache
def _make_agg_sc():
    mesh = plsc.VectorSubcoreMesh(core_axis_name="c", subcore_axis_name="s",
                                  num_cores=SC_NC)

    @functools.partial(
        pl.kernel,
        out_type=jax.ShapeDtypeStruct((NR, S), jnp.float32),
        mesh=mesh,
        compiler_params=pltpu.CompilerParams(needs_layout_passes=False),
        scratch_types=[
            pltpu.VMEM((S,), jnp.float32),
            pltpu.VMEM((S,), jnp.float32),
            pltpu.VMEM((16 * 16,), jnp.int32),
            pltpu.VMEM((16 * 16,), jnp.float32),
        ],
    )
    def agg(vt_hbm, lag_hbm, w_hbm, out_hbm, vrow, orow, lrow, wrow):
        wid = lax.axis_index("s") * SC_NC + lax.axis_index("c")
        base = wid * ROWS_PER_W
        lane = lax.iota(jnp.int32, 16)

        def row_body(j, carry):
            r = base + j
            pltpu.sync_copy(vt_hbm.at[r], vrow)
            pltpu.sync_copy(lag_hbm.at[r], lrow)
            pltpu.sync_copy(w_hbm.at[r], wrow)
            lag_b = [lrow[pl.ds(16 * i, 16)] for i in range(16)]
            w_b = [wrow[pl.ds(16 * i, 16)] for i in range(16)]

            def chunk_body(jc, carry2):
                basei = lane + jc * 16
                acc = jnp.zeros((16,), jnp.float32)
                for i in range(16):
                    idx = (basei + lag_b[i]) & (S - 1)
                    acc = acc + plsc.load_gather(vrow, [idx]) * w_b[i]
                orow[pl.ds(jc * 16, 16)] = acc
                return carry2

            lax.fori_loop(0, S // 16, chunk_body, 0)
            pltpu.sync_copy(orow, out_hbm.at[r])
            return carry

        lax.fori_loop(0, ROWS_PER_W, row_body, 0)

    return agg


def _tile_kernel(agg_ref, out_ref):
    a = agg_ref[0]
    eye = jnp.eye(DK, dtype=jnp.float32)
    at = lax.dot_general(a, eye, (((0,), (0,)), ((), ())),
                         preferred_element_type=jnp.float32,
                         precision=PREC)
    out_ref[0] = jnp.concatenate([at] * H, axis=1)


def kernel(q_in, k_in, v_in, Wq, bq):
    dch = D // DCH
    qa, ka, vt = pl.pallas_call(
        _proj_kernel,
        grid=(B, DCH),
        in_specs=[
            pl.BlockSpec((1, S, dch), lambda b, d: (b, 0, d)),
            pl.BlockSpec((1, S, dch), lambda b, d: (b, 0, d)),
            pl.BlockSpec((1, S, dch), lambda b, d: (b, 0, d)),
            pl.BlockSpec((dch, DK), lambda b, d: (d, 0)),
            pl.BlockSpec((1, DK), lambda b, d: (0, 0)),
            pl.BlockSpec((DK, 1), lambda b, d: (0, 0)),
        ],
        out_specs=[
            pl.BlockSpec((1, S, DK), lambda b, d: (b, 0, 0)),
            pl.BlockSpec((1, S, DK), lambda b, d: (b, 0, 0)),
            pl.BlockSpec((1, DK, S), lambda b, d: (b, 0, 0)),
        ],
        out_shape=[
            jax.ShapeDtypeStruct((B, S, DK), jnp.float32),
            jax.ShapeDtypeStruct((B, S, DK), jnp.float32),
            jax.ShapeDtypeStruct((B, DK, S), jnp.float32),
        ],
    )(q_in, k_in, v_in, Wq, bq.reshape(1, DK), bq.reshape(DK, 1))

    sr, si, nyq = pl.pallas_call(
        _fwd1_kernel,
        grid=(NFB2,),
        in_specs=[
            pl.BlockSpec((B, S, DK), lambda f: (0, 0, 0)),
            pl.BlockSpec((B, S, DK), lambda f: (0, 0, 0)),
        ],
        out_specs=[
            pl.BlockSpec((FB, NR), lambda f: (f, 0)),
            pl.BlockSpec((FB, NR), lambda f: (f, 0)),
            pl.BlockSpec((1, NR), lambda f: (0, 0)),
        ],
        out_shape=[
            jax.ShapeDtypeStruct((NF, NR), jnp.float32),
            jax.ShapeDtypeStruct((NF, NR), jnp.float32),
            jax.ShapeDtypeStruct((1, NR), jnp.float32),
        ],
    )(qa, ka)

    qk_abs = pl.pallas_call(
        _inv1_kernel,
        grid=(NFB,),
        in_specs=[
            pl.BlockSpec((NF, NR), lambda t: (0, 0)),
            pl.BlockSpec((NF, NR), lambda t: (0, 0)),
            pl.BlockSpec((1, NR), lambda t: (0, 0)),
        ],
        out_specs=pl.BlockSpec((FB, NR), lambda t: (t, 0)),
        out_shape=jax.ShapeDtypeStruct((S, NR), jnp.float32),
    )(sr, si, nyq)

    w_bc, lag_bc = pl.pallas_call(
        _topk_kernel,
        out_shape=[
            jax.ShapeDtypeStruct((NR, 256), jnp.float32),
            jax.ShapeDtypeStruct((NR, 256), jnp.int32),
        ],
    )(qk_abs)

    agg = _make_agg_sc()(vt.reshape(NR, S), lag_bc, w_bc)

    out = pl.pallas_call(
        _tile_kernel,
        grid=(B,),
        in_specs=[pl.BlockSpec((1, DK, S), lambda b: (b, 0, 0))],
        out_specs=pl.BlockSpec((1, S, H * DK), lambda b: (b, 0, 0)),
        out_shape=jax.ShapeDtypeStruct((B, S, H * DK), jnp.float32),
    )(agg.reshape(B, DK, S))
    return out

# --- scband reference (transcript-rebuilt; emitter-appended) ---
"""Pipeline reference for scband-autocorrelation-66718021976429 (READ-ONLY COPY).

The authoritative reference and input builder live on the scoring server;
editing this copy changes nothing except your own understanding.
"""

import jax, jax.numpy as jnp
import numpy as np

B, S, D = 4, 2048, 1024
DK = 64
DV = 64
H = 16
C = 2


def setup_inputs(seed: int = 0) -> dict:
    key = jax.random.key(seed)
    ks = jax.random.split(key, 5)
    q_in = jax.random.normal(ks[0], (B, S, D), dtype=jnp.float32)
    k_in = jax.random.normal(ks[1], (B, S, D), dtype=jnp.float32)
    v_in = jax.random.normal(ks[2], (B, S, D), dtype=jnp.float32)
    limit = float(np.sqrt(6.0 / (D + DK)))
    Wq = jax.random.uniform(ks[3], (D, DK), dtype=jnp.float32, minval=-limit, maxval=limit)
    bq = jax.random.uniform(ks[4], (DK,), dtype=jnp.float32, minval=-limit, maxval=limit)
    return {"q_in": q_in, "k_in": k_in, "v_in": v_in, "Wq": Wq, "bq": bq}


def reference(q_in, k_in, v_in, Wq, bq):
    # NOTE: original module applies self.query to all three inputs (faithful to source),
    # and every head uses the same projection, so stacking heads is a broadcast.
    q = q_in @ Wq + bq  # [B, S, DK]
    k = k_in @ Wq + bq
    v = v_in @ Wq + bq
    # stack over heads (axis=-1) then transpose [0,3,2,1] -> [B, H, DK, S]
    Q = jnp.broadcast_to(jnp.transpose(q, (0, 2, 1))[:, None, :, :], (B, H, DK, S))
    K = jnp.broadcast_to(jnp.transpose(k, (0, 2, 1))[:, None, :, :], (B, H, DK, S))
    V = jnp.broadcast_to(jnp.transpose(v, (0, 2, 1))[:, None, :, :], (B, H, DV, S))
    Qf = jnp.fft.fft(Q.astype(jnp.complex64))
    Kf = jnp.conj(jnp.fft.fft(K.astype(jnp.complex64)))
    QK = jnp.fft.ifft(Qf * Kf)  # [B, H, DK, S] complex
    qk_abs = jnp.abs(QK)
    kk = int(C * np.log(S))
    vals, idx = jax.lax.top_k(qk_abs, kk)  # [B, H, DK, kk]
    vals_sm = jax.nn.softmax(vals, axis=-1)
    t = jnp.arange(S)
    agg = jnp.zeros((B, H, DV, S), dtype=jnp.float32)
    for i in range(kk):
        # tf.roll(v, shift=-lag) -> rolled[t] = v[(t + lag) mod S]
        pos = (t[None, None, None, :] + idx[..., i][..., None]) % S
        rolled = jnp.take_along_axis(V, pos, axis=-1)
        agg = agg + rolled * vals_sm[..., i][..., None]
    reshaped = agg.reshape(B, H * DV, S)
    return jnp.transpose(reshaped, (0, 2, 1))  # [B, S, H*DV]

if __name__ == "__main__":
    import jax
    _d = setup_inputs()
    print(jax.jit(kernel)(*tuple(_d.values())))

</pallas_src>

<mosaic_0001>
#map = affine_map<(d0, d1) -> (0, 0)>
module attributes {stable_mosaic.version = 14 : i64} {
  func.func @agg(%arg0: i32, %arg1: i32, %arg2: memref<256x2048xf32, #tpu.memory_space<hbm>>, %arg3: memref<256x256xi32, #tpu.memory_space<hbm>>, %arg4: memref<256x256xf32, #tpu.memory_space<hbm>>, %arg5: memref<256x2048xf32, #tpu.memory_space<hbm>>, %arg6: memref<2048xf32, #tpu.memory_space<vmem>>, %arg7: memref<2048xf32, #tpu.memory_space<vmem>>, %arg8: memref<256xi32, #tpu.memory_space<vmem>>, %arg9: memref<256xf32, #tpu.memory_space<vmem>>) attributes {dimension_semantics = [#tpu.dimension_semantics<core_parallel>, #tpu.dimension_semantics<subcore_parallel>], iteration_bounds = array<i64: 2, 16>, scalar_prefetch = 0 : i64, scratch_operands = 4 : i64, tpu.core_type = #tpu.core_type<sc_vector_subcore>, window_params = [{transform_indices = #map}, {transform_indices = #map}, {transform_indices = #map}, {transform_indices = #map}]} {
    %mul3A = arith.constant 2 : i32
    %mul3A_0 = arith.muli %arg1, %mul3A : i32
    %add3A = arith.addi %mul3A_0, %arg0 : i32
    %mul3A_1 = arith.constant 8 : i32
    %mul3A_2 = arith.muli %add3A, %mul3A_1 : i32
    %iota3A = tpu.iota {dimensions = array<i32: 0>} : vector<16xi32>
    %scan3A = arith.constant 0 : i32
    %scan3A_3 = arith.constant 0 : i32
    %scan3A_4 = arith.constant 8 : i32
    %scan3A_5 = arith.addi %scan3A_3, %scan3A_4 : i32
    %scan3A_6 = arith.constant 1 : i32
    scf.for %scan3A_8 = %scan3A_3 to %scan3A_5 step %scan3A_6  : i32 {
      %add3A_9 = arith.addi %mul3A_2, %scan3A_8 : i32
      "tpu.region"() ({
        %run_scoped3A = tpu.sem_alloc : memref<!tpu.dma_semaphore, #tpu.memory_space<semaphore_mem>>
        %dma_start3A = arith.constant 0 : i32
        %dma_start3A_79 = tpu.memref_slice %arg2[%add3A_9, %dma_start3A] : memref<256x2048xf32, #tpu.memory_space<hbm>> -> memref<1x2048xf32, #tpu.memory_space<hbm>>
        %dma_start3A_80 = tpu.memref_squeeze %dma_start3A_79 : memref<1x2048xf32, #tpu.memory_space<hbm>> -> memref<2048xf32, #tpu.memory_space<hbm>>
        %dma_start3A_81 = arith.constant 0 : i32
        %dma_start3A_82 = tpu.memref_slice %arg2[%add3A_9, %dma_start3A_81] : memref<256x2048xf32, #tpu.memory_space<hbm>> -> memref<1x2048xf32, #tpu.memory_space<hbm>>
        %dma_start3A_83 = tpu.memref_squeeze %dma_start3A_82 : memref<1x2048xf32, #tpu.memory_space<hbm>> -> memref<2048xf32, #tpu.memory_space<hbm>>
        tpu.enqueue_dma source(%dma_start3A_83 : memref<2048xf32, #tpu.memory_space<hbm>>) target(%arg6 : memref<2048xf32, #tpu.memory_space<vmem>>) target_semaphore(%run_scoped3A : memref<!tpu.dma_semaphore, #tpu.memory_space<semaphore_mem>>)
        %dma_wait3A = arith.constant 0 : i32
        %dma_wait3A_84 = tpu.memref_slice %arg2[%add3A_9, %dma_wait3A] : memref<256x2048xf32, #tpu.memory_space<hbm>> -> memref<1x2048xf32, #tpu.memory_space<hbm>>
        %dma_wait3A_85 = tpu.memref_squeeze %dma_wait3A_84 : memref<1x2048xf32, #tpu.memory_space<hbm>> -> memref<2048xf32, #tpu.memory_space<hbm>>
        %dma_wait3A_86 = arith.constant 0 : i32
        %dma_wait3A_87 = tpu.memref_slice %arg2[%add3A_9, %dma_wait3A_86] : memref<256x2048xf32, #tpu.memory_space<hbm>> -> memref<1x2048xf32, #tpu.memory_space<hbm>>
        %dma_wait3A_88 = tpu.memref_squeeze %dma_wait3A_87 : memref<1x2048xf32, #tpu.memory_space<hbm>> -> memref<2048xf32, #tpu.memory_space<hbm>>
        tpu.wait_dma2 semaphore(%run_scoped3A : memref<!tpu.dma_semaphore, #tpu.memory_space<semaphore_mem>>) src(%dma_wait3A_88 : memref<2048xf32, #tpu.memory_space<hbm>>) dst(%arg6 : memref<2048xf32, #tpu.memory_space<vmem>>)
        tpu.yield
      }) : () -> ()
      "tpu.region"() ({
        %run_scoped3A = tpu.sem_alloc : memref<!tpu.dma_semaphore, #tpu.memory_space<semaphore_mem>>
        %dma_start3A = arith.constant 0 : i32
        %dma_start3A_79 = tpu.memref_slice %arg3[%add3A_9, %dma_start3A] : memref<256x256xi32, #tpu.memory_space<hbm>> -> memref<1x256xi32, #tpu.memory_space<hbm>>
        %dma_start3A_80 = tpu.memref_squeeze %dma_start3A_79 : memref<1x256xi32, #tpu.memory_space<hbm>> -> memref<256xi32, #tpu.memory_space<hbm>>
        %dma_start3A_81 = arith.constant 0 : i32
        %dma_start3A_82 = tpu.memref_slice %arg3[%add3A_9, %dma_start3A_81] : memref<256x256xi32, #tpu.memory_space<hbm>> -> memref<1x256xi32, #tpu.memory_space<hbm>>
        %dma_start3A_83 = tpu.memref_squeeze %dma_start3A_82 : memref<1x256xi32, #tpu.memory_space<hbm>> -> memref<256xi32, #tpu.memory_space<hbm>>
        tpu.enqueue_dma source(%dma_start3A_83 : memref<256xi32, #tpu.memory_space<hbm>>) target(%arg8 : memref<256xi32, #tpu.memory_space<vmem>>) target_semaphore(%run_scoped3A : memref<!tpu.dma_semaphore, #tpu.memory_space<semaphore_mem>>)
        %dma_wait3A = arith.constant 0 : i32
        %dma_wait3A_84 = tpu.memref_slice %arg3[%add3A_9, %dma_wait3A] : memref<256x256xi32, #tpu.memory_space<hbm>> -> memref<1x256xi32, #tpu.memory_space<hbm>>
        %dma_wait3A_85 = tpu.memref_squeeze %dma_wait3A_84 : memref<1x256xi32, #tpu.memory_space<hbm>> -> memref<256xi32, #tpu.memory_space<hbm>>
        %dma_wait3A_86 = arith.constant 0 : i32
        %dma_wait3A_87 = tpu.memref_slice %arg3[%add3A_9, %dma_wait3A_86] : memref<256x256xi32, #tpu.memory_space<hbm>> -> memref<1x256xi32, #tpu.memory_space<hbm>>
        %dma_wait3A_88 = tpu.memref_squeeze %dma_wait3A_87 : memref<1x256xi32, #tpu.memory_space<hbm>> -> memref<256xi32, #tpu.memory_space<hbm>>
        tpu.wait_dma2 semaphore(%run_scoped3A : memref<!tpu.dma_semaphore, #tpu.memory_space<semaphore_mem>>) src(%dma_wait3A_88 : memref<256xi32, #tpu.memory_space<hbm>>) dst(%arg8 : memref<256xi32, #tpu.memory_space<vmem>>)
        tpu.yield
      }) : () -> ()
      "tpu.region"() ({
        %run_scoped3A = tpu.sem_alloc : memref<!tpu.dma_semaphore, #tpu.memory_space<semaphore_mem>>
        %dma_start3A = arith.constant 0 : i32
        %dma_start3A_79 = tpu.memref_slice %arg4[%add3A_9, %dma_start3A] : memref<256x256xf32, #tpu.memory_space<hbm>> -> memref<1x256xf32, #tpu.memory_space<hbm>>
        %dma_start3A_80 = tpu.memref_squeeze %dma_start3A_79 : memref<1x256xf32, #tpu.memory_space<hbm>> -> memref<256xf32, #tpu.memory_space<hbm>>
        %dma_start3A_81 = arith.constant 0 : i32
        %dma_start3A_82 = tpu.memref_slice %arg4[%add3A_9, %dma_start3A_81] : memref<256x256xf32, #tpu.memory_space<hbm>> -> memref<1x256xf32, #tpu.memory_space<hbm>>
        %dma_start3A_83 = tpu.memref_squeeze %dma_start3A_82 : memref<1x256xf32, #tpu.memory_space<hbm>> -> memref<256xf32, #tpu.memory_space<hbm>>
        tpu.enqueue_dma source(%dma_start3A_83 : memref<256xf32, #tpu.memory_space<hbm>>) target(%arg9 : memref<256xf32, #tpu.memory_space<vmem>>) target_semaphore(%run_scoped3A : memref<!tpu.dma_semaphore, #tpu.memory_space<semaphore_mem>>)
        %dma_wait3A = arith.constant 0 : i32
        %dma_wait3A_84 = tpu.memref_slice %arg4[%add3A_9, %dma_wait3A] : memref<256x256xf32, #tpu.memory_space<hbm>> -> memref<1x256xf32, #tpu.memory_space<hbm>>
        %dma_wait3A_85 = tpu.memref_squeeze %dma_wait3A_84 : memref<1x256xf32, #tpu.memory_space<hbm>> -> memref<256xf32, #tpu.memory_space<hbm>>
        %dma_wait3A_86 = arith.constant 0 : i32
        %dma_wait3A_87 = tpu.memref_slice %arg4[%add3A_9, %dma_wait3A_86] : memref<256x256xf32, #tpu.memory_space<hbm>> -> memref<1x256xf32, #tpu.memory_space<hbm>>
        %dma_wait3A_88 = tpu.memref_squeeze %dma_wait3A_87 : memref<1x256xf32, #tpu.memory_space<hbm>> -> memref<256xf32, #tpu.memory_space<hbm>>
        tpu.wait_dma2 semaphore(%run_scoped3A : memref<!tpu.dma_semaphore, #tpu.memory_space<semaphore_mem>>) src(%dma_wait3A_88 : memref<256xf32, #tpu.memory_space<hbm>>) dst(%arg9 : memref<256xf32, #tpu.memory_space<vmem>>)
        tpu.yield
      }) : () -> ()
      %get3A = arith.constant 0 : index
      %get3A_10 = tpu.vector_load %arg8[%get3A] {strides = array<i32>} : memref<256xi32, #tpu.memory_space<vmem>>, vector<16xi32>,
      %get3A_11 = arith.constant 16 : index
      %get3A_12 = tpu.vector_load %arg8[%get3A_11] {strides = array<i32>} : memref<256xi32, #tpu.memory_space<vmem>>, vector<16xi32>,
      %get3A_13 = arith.constant 32 : index
      %get3A_14 = tpu.vector_load %arg8[%get3A_13] {strides = array<i32>} : memref<256xi32, #tpu.memory_space<vmem>>, vector<16xi32>,
      %get3A_15 = arith.constant 48 : index
      %get3A_16 = tpu.vector_load %arg8[%get3A_15] {strides = array<i32>} : memref<256xi32, #tpu.memory_space<vmem>>, vector<16xi32>,
      %get3A_17 = arith.constant 64 : index
      %get3A_18 = tpu.vector_load %arg8[%get3A_17] {strides = array<i32>} : memref<256xi32, #tpu.memory_space<vmem>>, vector<16xi32>,
      %get3A_19 = arith.constant 80 : index
      %get3A_20 = tpu.vector_load %arg8[%get3A_19] {strides = array<i32>} : memref<256xi32, #tpu.memory_space<vmem>>, vector<16xi32>,
      %get3A_21 = arith.constant 96 : index
      %get3A_22 = tpu.vector_load %arg8[%get3A_21] {strides = array<i32>} : memref<256xi32, #tpu.memory_space<vmem>>, vector<16xi32>,
      %get3A_23 = arith.constant 112 : index
      %get3A_24 = tpu.vector_load %arg8[%get3A_23] {strides = array<i32>} : memref<256xi32, #tpu.memory_space<vmem>>, vector<16xi32>,
      %get3A_25 = arith.constant 128 : index
      %get3A_26 = tpu.vector_load %arg8[%get3A_25] {strides = array<i32>} : memref<256xi32, #tpu.memory_space<vmem>>, vector<16xi32>,
      %get3A_27 = arith.constant 144 : index
      %get3A_28 = tpu.vector_load %arg8[%get3A_27] {strides = array<i32>} : memref<256xi32, #tpu.memory_space<vmem>>, vector<16xi32>,
      %get3A_29 = arith.constant 160 : index
      %get3A_30 = tpu.vector_load %arg8[%get3A_29] {strides = array<i32>} : memref<256xi32, #tpu.memory_space<vmem>>, vector<16xi32>,
      %get3A_31 = arith.constant 176 : index
      %get3A_32 = tpu.vector_load %arg8[%get3A_31] {strides = array<i32>} : memref<256xi32, #tpu.memory_space<vmem>>, vector<16xi32>,
      %get3A_33 = arith.constant 192 : index
      %get3A_34 = tpu.vector_load %arg8[%get3A_33] {strides = array<i32>} : memref<256xi32, #tpu.memory_space<vmem>>, vector<16xi32>,
      %get3A_35 = arith.constant 208 : index
      %get3A_36 = tpu.vector_load %arg8[%get3A_35] {strides = array<i32>} : memref<256xi32, #tpu.memory_space<vmem>>, vector<16xi32>,
      %get3A_37 = arith.constant 224 : index
      %get3A_38 = tpu.vector_load %arg8[%get3A_37] {strides = array<i32>} : memref<256xi32, #tpu.memory_space<vmem>>, vector<16xi32>,
      %get3A_39 = arith.constant 240 : index
      %get3A_40 = tpu.vector_load %arg8[%get3A_39] {strides = array<i32>} : memref<256xi32, #tpu.memory_space<vmem>>, vector<16xi32>,
      %get3A_41 = arith.constant 0 : index
      %get3A_42 = tpu.vector_load %arg9[%get3A_41] {strides = array<i32>} : memref<256xf32, #tpu.memory_space<vmem>>, vector<16xf32>,
      %get3A_43 = arith.constant 16 : index
      %get3A_44 = tpu.vector_load %arg9[%get3A_43] {strides = array<i32>} : memref<256xf32, #tpu.memory_space<vmem>>, vector<16xf32>,
      %get3A_45 = arith.constant 32 : index
      %get3A_46 = tpu.vector_load %arg9[%get3A_45] {strides = array<i32>} : memref<256xf32, #tpu.memory_space<vmem>>, vector<16xf32>,
      %get3A_47 = arith.constant 48 : index
      %get3A_48 = tpu.vector_load %arg9[%get3A_47] {strides = array<i32>} : memref<256xf32, #tpu.memory_space<vmem>>, vector<16xf32>,
      %get3A_49 = arith.constant 64 : index
      %get3A_50 = tpu.vector_load %arg9[%get3A_49] {strides = array<i32>} : memref<256xf32, #tpu.memory_space<vmem>>, vector<16xf32>,
      %get3A_51 = arith.constant 80 : index
      %get3A_52 = tpu.vector_load %arg9[%get3A_51] {strides = array<i32>} : memref<256xf32, #tpu.memory_space<vmem>>, vector<16xf32>,
      %get3A_53 = arith.constant 96 : index
      %get3A_54 = tpu.vector_load %arg9[%get3A_53] {strides = array<i32>} : memref<256xf32, #tpu.memory_space<vmem>>, vector<16xf32>,
      %get3A_55 = arith.constant 112 : index
      %get3A_56 = tpu.vector_load %arg9[%get3A_55] {strides = array<i32>} : memref<256xf32, #tpu.memory_space<vmem>>, vector<16xf32>,
      %get3A_57 = arith.constant 128 : index
      %get3A_58 = tpu.vector_load %arg9[%get3A_57] {strides = array<i32>} : memref<256xf32, #tpu.memory_space<vmem>>, vector<16xf32>,
      %get3A_59 = arith.constant 144 : index
      %get3A_60 = tpu.vector_load %arg9[%get3A_59] {strides = array<i32>} : memref<256xf32, #tpu.memory_space<vmem>>, vector<16xf32>,
      %get3A_61 = arith.constant 160 : index
      %get3A_62 = tpu.vector_load %arg9[%get3A_61] {strides = array<i32>} : memref<256xf32, #tpu.memory_space<vmem>>, vector<16xf32>,
      %get3A_63 = arith.constant 176 : index
      %get3A_64 = tpu.vector_load %arg9[%get3A_63] {strides = array<i32>} : memref<256xf32, #tpu.memory_space<vmem>>, vector<16xf32>,
      %get3A_65 = arith.constant 192 : index
      %get3A_66 = tpu.vector_load %arg9[%get3A_65] {strides = array<i32>} : memref<256xf32, #tpu.memory_space<vmem>>, vector<16xf32>,
      %get3A_67 = arith.constant 208 : index
      %get3A_68 = tpu.vector_load %arg9[%get3A_67] {strides = array<i32>} : memref<256xf32, #tpu.memory_space<vmem>>, vector<16xf32>,
      %get3A_69 = arith.constant 224 : index
      %get3A_70 = tpu.vector_load %arg9[%get3A_69] {strides = array<i32>} : memref<256xf32, #tpu.memory_space<vmem>>, vector<16xf32>,
      %get3A_71 = arith.constant 240 : index
      %get3A_72 = tpu.vector_load %arg9[%get3A_71] {strides = array<i32>} : memref<256xf32, #tpu.memory_space<vmem>>, vector<16xf32>,
      %scan3A_73 = arith.constant 0 : i32
      %scan3A_74 = arith.constant 0 : i32
      %scan3A_75 = arith.constant 128 : i32
      %scan3A_76 = arith.addi %scan3A_74, %scan3A_75 : i32
      %scan3A_77 = arith.constant 1 : i32
      scf.for %scan3A_79 = %scan3A_74 to %scan3A_76 step %scan3A_77  : i32 {
        %mul3A_80 = arith.constant 16 : i32
        %mul3A_81 = arith.muli %scan3A_79, %mul3A_80 : i32
        %add3A_82 = vector.broadcast %mul3A_81 : i32 to vector<16xi32>
        %add3A_83 = arith.addi %iota3A, %add3A_82 : vector<16xi32>
        %broadcast_in_dim3A = arith.constant 0.000000e+00 : f32
        %broadcast_in_dim3A_84 = vector.broadcast %broadcast_in_dim3A : f32 to vector<16xf32>
        %add3A_85 = arith.addi %add3A_83, %get3A_10 : vector<16xi32>
        %and3A = arith.constant 2047 : i32
        %and3A_86 = vector.broadcast %and3A : i32 to vector<16xi32>
        %and3A_87 = arith.andi %add3A_85, %and3A_86 : vector<16xi32>
        %gather3A = tpu.vector_load_idx %arg6[%and3A_87] : memref<2048xf32, #tpu.memory_space<vmem>>[vector<16xi32>], vector<16xf32>,
        %mul3A_88 = arith.mulf %gather3A, %get3A_42 : vector<16xf32>
        %add3A_89 = arith.addf %broadcast_in_dim3A_84, %mul3A_88 : vector<16xf32>
        %add3A_90 = arith.addi %add3A_83, %get3A_12 : vector<16xi32>
        %and3A_91 = arith.constant 2047 : i32
        %and3A_92 = vector.broadcast %and3A_91 : i32 to vector<16xi32>
        %and3A_93 = arith.andi %add3A_90, %and3A_92 : vector<16xi32>
        %gather3A_94 = tpu.vector_load_idx %arg6[%and3A_93] : memref<2048xf32, #tpu.memory_space<vmem>>[vector<16xi32>], vector<16xf32>,
        %mul3A_95 = arith.mulf %gather3A_94, %get3A_44 : vector<16xf32>
        %add3A_96 = arith.addf %add3A_89, %mul3A_95 : vector<16xf32>
        %add3A_97 = arith.addi %add3A_83, %get3A_14 : vector<16xi32>
        %and3A_98 = arith.constant 2047 : i32
        %and3A_99 = vector.broadcast %and3A_98 : i32 to vector<16xi32>
        %and3A_100 = arith.andi %add3A_97, %and3A_99 : vector<16xi32>
        %gather3A_101 = tpu.vector_load_idx %arg6[%and3A_100] : memref<2048xf32, #tpu.memory_space<vmem>>[vector<16xi32>], vector<16xf32>,
        %mul3A_102 = arith.mulf %gather3A_101, %get3A_46 : vector<16xf32>
        %add3A_103 = arith.addf %add3A_96, %mul3A_102 : vector<16xf32>
        %add3A_104 = arith.addi %add3A_83, %get3A_16 : vector<16xi32>
        %and3A_105 = arith.constant 2047 : i32
        %and3A_106 = vector.broadcast %and3A_105 : i32 to vector<16xi32>
        %and3A_107 = arith.andi %add3A_104, %and3A_106 : vector<16xi32>
        %gather3A_108 = tpu.vector_load_idx %arg6[%and3A_107] : memref<2048xf32, #tpu.memory_space<vmem>>[vector<16xi32>], vector<16xf32>,
        %mul3A_109 = arith.mulf %gather3A_108, %get3A_48 : vector<16xf32>
        %add3A_110 = arith.addf %add3A_103, %mul3A_109 : vector<16xf32>
        %add3A_111 = arith.addi %add3A_83, %get3A_18 : vector<16xi32>
        %and3A_112 = arith.constant 2047 : i32
        %and3A_113 = vector.broadcast %and3A_112 : i32 to vector<16xi32>
        %and3A_114 = arith.andi %add3A_111, %and3A_113 : vector<16xi32>
        %gather3A_115 = tpu.vector_load_idx %arg6[%and3A_114] : memref<2048xf32, #tpu.memory_space<vmem>>[vector<16xi32>], vector<16xf32>,
        %mul3A_116 = arith.mulf %gather3A_115, %get3A_50 : vector<16xf32>
        %add3A_117 = arith.addf %add3A_110, %mul3A_116 : vector<16xf32>
        %add3A_118 = arith.addi %add3A_83, %get3A_20 : vector<16xi32>
        %and3A_119 = arith.constant 2047 : i32
        %and3A_120 = vector.broadcast %and3A_119 : i32 to vector<16xi32>
        %and3A_121 = arith.andi %add3A_118, %and3A_120 : vector<16xi32>
        %gather3A_122 = tpu.vector_load_idx %arg6[%and3A_121] : memref<2048xf32, #tpu.memory_space<vmem>>[vector<16xi32>], vector<16xf32>,
        %mul3A_123 = arith.mulf %gather3A_122, %get3A_52 : vector<16xf32>
        %add3A_124 = arith.addf %add3A_117, %mul3A_123 : vector<16xf32>
        %add3A_125 = arith.addi %add3A_83, %get3A_22 : vector<16xi32>
        %and3A_126 = arith.constant 2047 : i32
        %and3A_127 = vector.broadcast %and3A_126 : i32 to vector<16xi32>
        %and3A_128 = arith.andi %add3A_125, %and3A_127 : vector<16xi32>
        %gather3A_129 = tpu.vector_load_idx %arg6[%and3A_128] : memref<2048xf32, #tpu.memory_space<vmem>>[vector<16xi32>], vector<16xf32>,
        %mul3A_130 = arith.mulf %gather3A_129, %get3A_54 : vector<16xf32>
        %add3A_131 = arith.addf %add3A_124, %mul3A_130 : vector<16xf32>
        %add3A_132 = arith.addi %add3A_83, %get3A_24 : vector<16xi32>
        %and3A_133 = arith.constant 2047 : i32
        %and3A_134 = vector.broadcast %and3A_133 : i32 to vector<16xi32>
        %and3A_135 = arith.andi %add3A_132, %and3A_134 : vector<16xi32>
        %gather3A_136 = tpu.vector_load_idx %arg6[%and3A_135] : memref<2048xf32, #tpu.memory_space<vmem>>[vector<16xi32>], vector<16xf32>,
        %mul3A_137 = arith.mulf %gather3A_136, %get3A_56 : vector<16xf32>
        %add3A_138 = arith.addf %add3A_131, %mul3A_137 : vector<16xf32>
        %add3A_139 = arith.addi %add3A_83, %get3A_26 : vector<16xi32>
        %and3A_140 = arith.constant 2047 : i32
        %and3A_141 = vector.broadcast %and3A_140 : i32 to vector<16xi32>
        %and3A_142 = arith.andi %add3A_139, %and3A_141 : vector<16xi32>
        %gather3A_143 = tpu.vector_load_idx %arg6[%and3A_142] : memref<2048xf32, #tpu.memory_space<vmem>>[vector<16xi32>], vector<16xf32>,
        %mul3A_144 = arith.mulf %gather3A_143, %get3A_58 : vector<16xf32>
        %add3A_145 = arith.addf %add3A_138, %mul3A_144 : vector<16xf32>
        %add3A_146 = arith.addi %add3A_83, %get3A_28 : vector<16xi32>
        %and3A_147 = arith.constant 2047 : i32
        %and3A_148 = vector.broadcast %and3A_147 : i32 to vector<16xi32>
        %and3A_149 = arith.andi %add3A_146, %and3A_148 : vector<16xi32>
        %gather3A_150 = tpu.vector_load_idx %arg6[%and3A_149] : memref<2048xf32, #tpu.memory_space<vmem>>[vector<16xi32>], vector<16xf32>,
        %mul3A_151 = arith.mulf %gather3A_150, %get3A_60 : vector<16xf32>
        %add3A_152 = arith.addf %add3A_145, %mul3A_151 : vector<16xf32>
        %add3A_153 = arith.addi %add3A_83, %get3A_30 : vector<16xi32>
        %and3A_154 = arith.constant 2047 : i32
        %and3A_155 = vector.broadcast %and3A_154 : i32 to vector<16xi32>
        %and3A_156 = arith.andi %add3A_153, %and3A_155 : vector<16xi32>
        %gather3A_157 = tpu.vector_load_idx %arg6[%and3A_156] : memref<2048xf32, #tpu.memory_space<vmem>>[vector<16xi32>], vector<16xf32>,
        %mul3A_158 = arith.mulf %gather3A_157, %get3A_62 : vector<16xf32>
        %add3A_159 = arith.addf %add3A_152, %mul3A_158 : vector<16xf32>
        %add3A_160 = arith.addi %add3A_83, %get3A_32 : vector<16xi32>
        %and3A_161 = arith.constant 2047 : i32
        %and3A_162 = vector.broadcast %and3A_161 : i32 to vector<16xi32>
        %and3A_163 = arith.andi %add3A_160, %and3A_162 : vector<16xi32>
        %gather3A_164 = tpu.vector_load_idx %arg6[%and3A_163] : memref<2048xf32, #tpu.memory_space<vmem>>[vector<16xi32>], vector<16xf32>,
        %mul3A_165 = arith.mulf %gather3A_164, %get3A_64 : vector<16xf32>
        %add3A_166 = arith.addf %add3A_159, %mul3A_165 : vector<16xf32>
        %add3A_167 = arith.addi %add3A_83, %get3A_34 : vector<16xi32>
        %and3A_168 = arith.constant 2047 : i32
        %and3A_169 = vector.broadcast %and3A_168 : i32 to vector<16xi32>
        %and3A_170 = arith.andi %add3A_167, %and3A_169 : vector<16xi32>
        %gather3A_171 = tpu.vector_load_idx %arg6[%and3A_170] : memref<2048xf32, #tpu.memory_space<vmem>>[vector<16xi32>], vector<16xf32>,
        %mul3A_172 = arith.mulf %gather3A_171, %get3A_66 : vector<16xf32>
        %add3A_173 = arith.addf %add3A_166, %mul3A_172 : vector<16xf32>
        %add3A_174 = arith.addi %add3A_83, %get3A_36 : vector<16xi32>
        %and3A_175 = arith.constant 2047 : i32
        %and3A_176 = vector.broadcast %and3A_175 : i32 to vector<16xi32>
        %and3A_177 = arith.andi %add3A_174, %and3A_176 : vector<16xi32>
        %gather3A_178 = tpu.vector_load_idx %arg6[%and3A_177] : memref<2048xf32, #tpu.memory_space<vmem>>[vector<16xi32>], vector<16xf32>,
        %mul3A_179 = arith.mulf %gather3A_178, %get3A_68 : vector<16xf32>
        %add3A_180 = arith.addf %add3A_173, %mul3A_179 : vector<16xf32>
        %add3A_181 = arith.addi %add3A_83, %get3A_38 : vector<16xi32>
        %and3A_182 = arith.constant 2047 : i32
        %and3A_183 = vector.broadcast %and3A_182 : i32 to vector<16xi32>
        %and3A_184 = arith.andi %add3A_181, %and3A_183 : vector<16xi32>
        %gather3A_185 = tpu.vector_load_idx %arg6[%and3A_184] : memref<2048xf32, #tpu.memory_space<vmem>>[vector<16xi32>], vector<16xf32>,
        %mul3A_186 = arith.mulf %gather3A_185, %get3A_70 : vector<16xf32>
        %add3A_187 = arith.addf %add3A_180, %mul3A_186 : vector<16xf32>
        %add3A_188 = arith.addi %add3A_83, %get3A_40 : vector<16xi32>
        %and3A_189 = arith.constant 2047 : i32
        %and3A_190 = vector.broadcast %and3A_189 : i32 to vector<16xi32>
        %and3A_191 = arith.andi %add3A_188, %and3A_190 : vector<16xi32>
        %gather3A_192 = tpu.vector_load_idx %arg6[%and3A_191] : memref<2048xf32, #tpu.memory_space<vmem>>[vector<16xi32>], vector<16xf32>,
        %mul3A_193 = arith.mulf %gather3A_192, %get3A_72 : vector<16xf32>
        %add3A_194 = arith.addf %add3A_187, %mul3A_193 : vector<16xf32>
        %mul3A_195 = arith.constant 16 : i32
        %mul3A_196 = arith.muli %scan3A_79, %mul3A_195 : i32
        %swap3A = arith.index_cast %mul3A_196 : i32 to index
        %swap3A_197 = tpu.vector_load %arg7[%swap3A] {strides = array<i32>} : memref<2048xf32, #tpu.memory_space<vmem>>, vector<16xf32>,
        tpu.vector_store %arg7[%swap3A], %add3A_194 {strides = array<i32>} : memref<2048xf32, #tpu.memory_space<vmem>>, vector<16xf32>,
      }
      %scan3A_78 = arith.constant 128 : i32
      "tpu.region"() ({
        %run_scoped3A = tpu.sem_alloc : memref<!tpu.dma_semaphore, #tpu.memory_space<semaphore_mem>>
        %dma_start3A = arith.constant 0 : i32
        %dma_start3A_79 = tpu.memref_slice %arg5[%add3A_9, %dma_start3A] : memref<256x2048xf32, #tpu.memory_space<hbm>> -> memref<1x2048xf32, #tpu.memory_space<hbm>>
        %dma_start3A_80 = tpu.memref_squeeze %dma_start3A_79 : memref<1x2048xf32, #tpu.memory_space<hbm>> -> memref<2048xf32, #tpu.memory_space<hbm>>
        %dma_start3A_81 = arith.constant 0 : i32
        %dma_start3A_82 = tpu.memref_slice %arg5[%add3A_9, %dma_start3A_81] : memref<256x2048xf32, #tpu.memory_space<hbm>> -> memref<1x2048xf32, #tpu.memory_space<hbm>>
        %dma_start3A_83 = tpu.memref_squeeze %dma_start3A_82 : memref<1x2048xf32, #tpu.memory_space<hbm>> -> memref<2048xf32, #tpu.memory_space<hbm>>
        tpu.enqueue_dma source(%arg7 : memref<2048xf32, #tpu.memory_space<vmem>>) target(%dma_start3A_83 : memref<2048xf32, #tpu.memory_space<hbm>>) target_semaphore(%run_scoped3A : memref<!tpu.dma_semaphore, #tpu.memory_space<semaphore_mem>>)
        %dma_wait3A = arith.constant 0 : i32
        %dma_wait3A_84 = tpu.memref_slice %arg5[%add3A_9, %dma_wait3A] : memref<256x2048xf32, #tpu.memory_space<hbm>> -> memref<1x2048xf32, #tpu.memory_space<hbm>>
        %dma_wait3A_85 = tpu.memref_squeeze %dma_wait3A_84 : memref<1x2048xf32, #tpu.memory_space<hbm>> -> memref<2048xf32, #tpu.memory_space<hbm>>
        %dma_wait3A_86 = arith.constant 0 : i32
        %dma_wait3A_87 = tpu.memref_slice %arg5[%add3A_9, %dma_wait3A_86] : memref<256x2048xf32, #tpu.memory_space<hbm>> -> memref<1x2048xf32, #tpu.memory_space<hbm>>
        %dma_wait3A_88 = tpu.memref_squeeze %dma_wait3A_87 : memref<1x2048xf32, #tpu.memory_space<hbm>> -> memref<2048xf32, #tpu.memory_space<hbm>>
        tpu.wait_dma2 semaphore(%run_scoped3A : memref<!tpu.dma_semaphore, #tpu.memory_space<semaphore_mem>>) src(%arg7 : memref<2048xf32, #tpu.memory_space<vmem>>) dst(%dma_wait3A_88 : memref<2048xf32, #tpu.memory_space<hbm>>)
        tpu.yield
      }) : () -> ()
    }
    %scan3A_7 = arith.constant 8 : i32
    return
  }
}

module attributes {stable_mosaic.version = 14 : i64} {
  func.func @_inv1_kernel(%arg0: i32, %arg1: memref<1024x256xf32, #tpu.memory_space<vmem>>, %arg2: memref<1024x256xf32, #tpu.memory_space<vmem>>, %arg3: memref<1x256xf32, #tpu.memory_space<vmem>>, %arg4: memref<256x256xf32, #tpu.memory_space<vmem>>) attributes {dimension_semantics = [#tpu.dimension_semantics<arbitrary>], iteration_bounds = array<i64: 8>, scalar_prefetch = 0 : i64, scratch_operands = 0 : i64, tpu.core_type = #tpu.core_type<tc>, window_params = [{pipeline_mode = #tpu.pipeline_mode<synchronous>, transform_indices = @transform_0, window_bounds = array<i64: 1024, 256>}, {pipeline_mode = #tpu.pipeline_mode<synchronous>, transform_indices = @transform_1, window_bounds = array<i64: 1024, 256>}, {pipeline_mode = #tpu.pipeline_mode<synchronous>, transform_indices = @transform_2, window_bounds = array<i64: 1, 256>}, {transform_indices = @transform_3, window_bounds = array<i64: 256, 256>}]} {
    %mul3A = arith.constant 256 : i32
    %mul3A_0 = arith.muli %arg0, %mul3A : i32
    %iota3A = tpu.iota {dimensions = array<i32: 0>} : vector<256x1024xi32>
    %add3A = vector.broadcast %mul3A_0 : i32 to vector<256x1024xi32>
    %add3A_1 = arith.addi %iota3A, %add3A : vector<256x1024xi32>
    %iota3A_2 = tpu.iota {dimensions = array<i32: 1>} : vector<256x1024xi32>
    %mul3A_3 = arith.muli %add3A_1, %iota3A_2 : vector<256x1024xi32>
    %and3A = arith.constant 2047 : i32
    %and3A_4 = vector.broadcast %and3A : i32 to vector<256x1024xi32>
    %and3A_5 = arith.andi %mul3A_3, %and3A_4 : vector<256x1024xi32>
    %convert_element_type3A = arith.sitofp %and3A_5 : vector<256x1024xi32> to vector<256x1024xf32>
    %mul3A_6 = arith.constant 0.00306796166 : f32
    %mul3A_7 = vector.broadcast %mul3A_6 : f32 to vector<256x1024xf32>
    %mul3A_8 = arith.mulf %convert_element_type3A, %mul3A_7 : vector<256x1024xf32>
    %cos3A = math.cos %mul3A_8 : vector<256x1024xf32>
    %sin3A = math.sin %mul3A_8 : vector<256x1024xf32>
    %get3A = arith.constant 0 : index
    %get3A_9 = arith.constant 0 : index
    %get3A_10 = vector.load %arg1[%get3A, %get3A_9] : memref<1024x256xf32, #tpu.memory_space<vmem>>, vector<1024x256xf32>
    %convert_element_type3A_11 = arith.truncf %cos3A : vector<256x1024xf32> to vector<256x1024xbf16>
    %convert_element_type3A_12 = arith.extf %convert_element_type3A_11 : vector<256x1024xbf16> to vector<256x1024xf32>
    %sub3A = arith.subf %cos3A, %convert_element_type3A_12 : vector<256x1024xf32>
    %convert_element_type3A_13 = arith.truncf %sub3A : vector<256x1024xf32> to vector<256x1024xbf16>
    %convert_element_type3A_14 = arith.truncf %get3A_10 : vector<1024x256xf32> to vector<1024x256xbf16>
    %convert_element_type3A_15 = arith.extf %convert_element_type3A_14 : vector<1024x256xbf16> to vector<1024x256xf32>
    %sub3A_16 = arith.subf %get3A_10, %convert_element_type3A_15 : vector<1024x256xf32>
    %convert_element_type3A_17 = arith.truncf %sub3A_16 : vector<1024x256xf32> to vector<1024x256xbf16>
    %dot_general3A = arith.constant dense<0.000000e+00> : vector<256x256xf32>
    %dot_general3A_18 = tpu.matmul %convert_element_type3A_11, %convert_element_type3A_14, %dot_general3A {dimension_numbers = #tpu.dot_dimension_numbers<[1], [0], [0], [1], [0, 0, 1, 1], [], []>, transpose_lhs_hint = false} : vector<256x1024xbf16>, vector<1024x256xbf16>, vector<256x256xf32> -> vector<256x256xf32>
    %dot_general3A_19 = arith.constant dense<0.000000e+00> : vector<256x256xf32>
    %dot_general3A_20 = tpu.matmul %convert_element_type3A_11, %convert_element_type3A_17, %dot_general3A_19 {dimension_numbers = #tpu.dot_dimension_numbers<[1], [0], [0], [1], [0, 0, 1, 1], [], []>, transpose_lhs_hint = false} : vector<256x1024xbf16>, vector<1024x256xbf16>, vector<256x256xf32> -> vector<256x256xf32>
    %dot_general3A_21 = arith.constant dense<0.000000e+00> : vector<256x256xf32>
    %dot_general3A_22 = tpu.matmul %convert_element_type3A_13, %convert_element_type3A_14, %dot_general3A_21 {dimension_numbers = #tpu.dot_dimension_numbers<[1], [0], [0], [1], [0, 0, 1, 1], [], []>, transpose_lhs_hint = false} : vector<256x1024xbf16>, vector<1024x256xbf16>, vector<256x256xf32> -> vector<256x256xf32>
    %add3A_23 = arith.addf %dot_general3A_20, %dot_general3A_22 : vector<256x256xf32>
    %add3A_24 = arith.addf %dot_general3A_18, %add3A_23 : vector<256x256xf32>
    %get3A_25 = arith.constant 0 : index
    %get3A_26 = arith.constant 0 : index
    %get3A_27 = vector.load %arg2[%get3A_25, %get3A_26] : memref<1024x256xf32, #tpu.memory_space<vmem>>, vector<1024x256xf32>
    %convert_element_type3A_28 = arith.truncf %sin3A : vector<256x1024xf32> to vector<256x1024xbf16>
    %convert_element_type3A_29 = arith.extf %convert_element_type3A_28 : vector<256x1024xbf16> to vector<256x1024xf32>
    %sub3A_30 = arith.subf %sin3A, %convert_element_type3A_29 : vector<256x1024xf32>
    %convert_element_type3A_31 = arith.truncf %sub3A_30 : vector<256x1024xf32> to vector<256x1024xbf16>
    %convert_element_type3A_32 = arith.truncf %get3A_27 : vector<1024x256xf32> to vector<1024x256xbf16>
    %convert_element_type3A_33 = arith.extf %convert_element_type3A_32 : vector<1024x256xbf16> to vector<1024x256xf32>
    %sub3A_34 = arith.subf %get3A_27, %convert_element_type3A_33 : vector<1024x256xf32>
    %convert_element_type3A_35 = arith.truncf %sub3A_34 : vector<1024x256xf32> to vector<1024x256xbf16>
    %dot_general3A_36 = arith.constant dense<0.000000e+00> : vector<256x256xf32>
    %dot_general3A_37 = tpu.matmul %convert_element_type3A_28, %convert_element_type3A_32, %dot_general3A_36 {dimension_numbers = #tpu.dot_dimension_numbers<[1], [0], [0], [1], [0, 0, 1, 1], [], []>, transpose_lhs_hint = false} : vector<256x1024xbf16>, vector<1024x256xbf16>, vector<256x256xf32> -> vector<256x256xf32>
    %dot_general3A_38 = arith.constant dense<0.000000e+00> : vector<256x256xf32>
    %dot_general3A_39 = tpu.matmul %convert_element_type3A_28, %convert_element_type3A_35, %dot_general3A_38 {dimension_numbers = #tpu.dot_dimension_numbers<[1], [0], [0], [1], [0, 0, 1, 1], [], []>, transpose_lhs_hint = false} : vector<256x1024xbf16>, vector<1024x256xbf16>, vector<256x256xf32> -> vector<256x256xf32>
    %dot_general3A_40 = arith.constant dense<0.000000e+00> : vector<256x256xf32>
    %dot_general3A_41 = tpu.matmul %convert_element_type3A_31, %convert_element_type3A_32, %dot_general3A_40 {dimension_numbers = #tpu.dot_dimension_numbers<[1], [0], [0], [1], [0, 0, 1, 1], [], []>, transpose_lhs_hint = false} : vector<256x1024xbf16>, vector<1024x256xbf16>, vector<256x256xf32> -> vector<256x256xf32>
    %add3A_42 = arith.addf %dot_general3A_39, %dot_general3A_41 : vector<256x256xf32>
    %add3A_43 = arith.addf %dot_general3A_37, %add3A_42 : vector<256x256xf32>
    %iota3A_44 = tpu.iota {dimensions = array<i32: 0>} : vector<256x1xi32>
    %mul3A_45 = arith.constant 256 : i32
    %mul3A_46 = arith.muli %arg0, %mul3A_45 : i32
    %add3A_47 = vector.broadcast %mul3A_46 : i32 to vector<256x1xi32>
    %add3A_48 = arith.addi %iota3A_44, %add3A_47 : vector<256x1xi32>
    %and3A_49 = arith.constant 1 : i32
    %and3A_50 = vector.broadcast %and3A_49 : i32 to vector<256x1xi32>
    %and3A_51 = arith.andi %add3A_48, %and3A_50 : vector<256x1xi32>
    %mul3A_52 = arith.constant 2 : i32
    %mul3A_53 = vector.broadcast %mul3A_52 : i32 to vector<256x1xi32>
    %mul3A_54 = arith.muli %mul3A_53, %and3A_51 : vector<256x1xi32>
    %sub3A_55 = arith.constant 1 : i32
    %sub3A_56 = vector.broadcast %sub3A_55 : i32 to vector<256x1xi32>
    %sub3A_57 = arith.subi %sub3A_56, %mul3A_54 : vector<256x1xi32>
    %convert_element_type3A_58 = arith.sitofp %sub3A_57 : vector<256x1xi32> to vector<256x1xf32>
    %sub3A_59 = arith.subf %add3A_24, %add3A_43 : vector<256x256xf32>
    %get3A_60 = arith.constant 0 : index
    %get3A_61 = arith.constant 0 : index
    %get3A_62 = vector.load %arg3[%get3A_60, %get3A_61] : memref<1x256xf32, #tpu.memory_space<vmem>>, vector<1x256xf32>
    %mul3A_63 = vector.broadcast %convert_element_type3A_58 : vector<256x1xf32> to vector<256x256xf32>
    %mul3A_64 = vector.broadcast %get3A_62 : vector<1x256xf32> to vector<256x256xf32>
    %mul3A_65 = arith.mulf %mul3A_63, %mul3A_64 : vector<256x256xf32>
    %add3A_66 = arith.addf %sub3A_59, %mul3A_65 : vector<256x256xf32>
    %abs3A = math.absf %add3A_66 : vector<256x256xf32>
    %swap3A = arith.constant 0 : index
    %swap3A_67 = arith.constant 0 : index
    %swap3A_68 = vector.load %arg4[%swap3A, %swap3A_67] : memref<256x256xf32, #tpu.memory_space<vmem>>, vector<256x256xf32>
    tpu.vector_store %arg4[%swap3A, %swap3A_67], %abs3A {strides = array<i32>} : memref<256x256xf32, #tpu.memory_space<vmem>>, vector<256x256xf32>,
    return
  }
  func.func @transform_0(%arg0: i32) -> (i32, i32) {
    %c0_i32 = arith.constant 0 : i32
    %c0_i32_0 = arith.constant 0 : i32
    %c0_i32_1 = arith.constant 0 : i32
    return %c0_i32, %c0_i32_0 : i32, i32
  }
  func.func @transform_1(%arg0: i32) -> (i32, i32) {
    %c0_i32 = arith.constant 0 : i32
    %c0_i32_0 = arith.constant 0 : i32
    %c0_i32_1 = arith.constant 0 : i32
    return %c0_i32, %c0_i32_0 : i32, i32
  }
  func.func @transform_2(%arg0: i32) -> (i32, i32) {
    %c0_i32 = arith.constant 0 : i32
    %c0_i32_0 = arith.constant 0 : i32
    %c0_i32_1 = arith.constant 0 : i32
    return %c0_i32, %c0_i32_0 : i32, i32
  }
  func.func @transform_3(%arg0: i32) -> (i32, i32) {
    %c0_i32 = arith.constant 0 : i32
    %c0_i32_0 = arith.constant 0 : i32
    return %arg0, %c0_i32 : i32, i32
  }
}

module attributes {stable_mosaic.version = 14 : i64} {
  func.func @_fwd1_kernel(%arg0: i32, %arg1: memref<4x2048x64xf32, #tpu.memory_space<vmem>>, %arg2: memref<4x2048x64xf32, #tpu.memory_space<vmem>>, %arg3: memref<256x256xf32, #tpu.memory_space<vmem>>, %arg4: memref<256x256xf32, #tpu.memory_space<vmem>>, %arg5: memref<1x256xf32, #tpu.memory_space<vmem>>) attributes {dimension_semantics = [#tpu.dimension_semantics<arbitrary>], iteration_bounds = array<i64: 4>, scalar_prefetch = 0 : i64, scratch_operands = 0 : i64, tpu.core_type = #tpu.core_type<tc>, window_params = [{pipeline_mode = #tpu.pipeline_mode<synchronous>, transform_indices = @transform_0, window_bounds = array<i64: 4, 2048, 64>}, {pipeline_mode = #tpu.pipeline_mode<synchronous>, transform_indices = @transform_1, window_bounds = array<i64: 4, 2048, 64>}, {transform_indices = @transform_2, window_bounds = array<i64: 256, 256>}, {transform_indices = @transform_3, window_bounds = array<i64: 256, 256>}, {pipeline_mode = #tpu.pipeline_mode<synchronous>, transform_indices = @transform_4, window_bounds = array<i64: 1, 256>}]} {
    %mul3A = arith.constant 256 : i32
    %mul3A_0 = arith.muli %arg0, %mul3A : i32
    %iota3A = tpu.iota {dimensions = array<i32: 0>} : vector<256x2048xi32>
    %add3A = vector.broadcast %mul3A_0 : i32 to vector<256x2048xi32>
    %add3A_1 = arith.addi %iota3A, %add3A : vector<256x2048xi32>
    %iota3A_2 = tpu.iota {dimensions = array<i32: 1>} : vector<256x2048xi32>
    %mul3A_3 = arith.muli %add3A_1, %iota3A_2 : vector<256x2048xi32>
    %and3A = arith.constant 2047 : i32
    %and3A_4 = vector.broadcast %and3A : i32 to vector<256x2048xi32>
    %and3A_5 = arith.andi %mul3A_3, %and3A_4 : vector<256x2048xi32>
    %convert_element_type3A = arith.sitofp %and3A_5 : vector<256x2048xi32> to vector<256x2048xf32>
    %mul3A_6 = arith.constant 0.00306796166 : f32
    %mul3A_7 = vector.broadcast %mul3A_6 : f32 to vector<256x2048xf32>
    %mul3A_8 = arith.mulf %convert_element_type3A, %mul3A_7 : vector<256x2048xf32>
    %cos3A = math.cos %mul3A_8 : vector<256x2048xf32>
    %sin3A = math.sin %mul3A_8 : vector<256x2048xf32>
    %get3A = arith.constant 0 : index
    %get3A_9 = arith.constant 0 : index
    %get3A_10 = arith.constant 0 : index
    %get3A_11 = vector.load %arg1[%get3A, %get3A_9, %get3A_10] : memref<4x2048x64xf32, #tpu.memory_space<vmem>>, vector<1x2048x64xf32>
    %get3A_12 = vector.shape_cast %get3A_11 : vector<1x2048x64xf32> to vector<2048x64xf32>
    %get3A_13 = arith.constant 1 : index
    %get3A_14 = arith.constant 0 : index
    %get3A_15 = arith.constant 0 : index
    %get3A_16 = vector.load %arg1[%get3A_13, %get3A_14, %get3A_15] : memref<4x2048x64xf32, #tpu.memory_space<vmem>>, vector<1x2048x64xf32>
    %get3A_17 = vector.shape_cast %get3A_16 : vector<1x2048x64xf32> to vector<2048x64xf32>
    %get3A_18 = arith.constant 2 : index
    %get3A_19 = arith.constant 0 : index
    %get3A_20 = arith.constant 0 : index
    %get3A_21 = vector.load %arg1[%get3A_18, %get3A_19, %get3A_20] : memref<4x2048x64xf32, #tpu.memory_space<vmem>>, vector<1x2048x64xf32>
    %get3A_22 = vector.shape_cast %get3A_21 : vector<1x2048x64xf32> to vector<2048x64xf32>
    %get3A_23 = arith.constant 3 : index
    %get3A_24 = arith.constant 0 : index
    %get3A_25 = arith.constant 0 : index
    %get3A_26 = vector.load %arg1[%get3A_23, %get3A_24, %get3A_25] : memref<4x2048x64xf32, #tpu.memory_space<vmem>>, vector<1x2048x64xf32>
    %get3A_27 = vector.shape_cast %get3A_26 : vector<1x2048x64xf32> to vector<2048x64xf32>
    %concatenate3A = tpu.concatenate %get3A_12, %get3A_17, %get3A_22, %get3A_27 in 1 : vector<2048x64xf32>, vector<2048x64xf32>, vector<2048x64xf32>, vector<2048x64xf32> -> vector<2048x256xf32>
    %get3A_28 = arith.constant 0 : index
    %get3A_29 = arith.constant 0 : index
    %get3A_30 = arith.constant 0 : index
    %get3A_31 = vector.load %arg2[%get3A_28, %get3A_29, %get3A_30] : memref<4x2048x64xf32, #tpu.memory_space<vmem>>, vector<1x2048x64xf32>
    %get3A_32 = vector.shape_cast %get3A_31 : vector<1x2048x64xf32> to vector<2048x64xf32>
    %get3A_33 = arith.constant 1 : index
    %get3A_34 = arith.constant 0 : index
    %get3A_35 = arith.constant 0 : index
    %get3A_36 = vector.load %arg2[%get3A_33, %get3A_34, %get3A_35] : memref<4x2048x64xf32, #tpu.memory_space<vmem>>, vector<1x2048x64xf32>
    %get3A_37 = vector.shape_cast %get3A_36 : vector<1x2048x64xf32> to vector<2048x64xf32>
    %get3A_38 = arith.constant 2 : index
    %get3A_39 = arith.constant 0 : index
    %get3A_40 = arith.constant 0 : index
    %get3A_41 = vector.load %arg2[%get3A_38, %get3A_39, %get3A_40] : memref<4x2048x64xf32, #tpu.memory_space<vmem>>, vector<1x2048x64xf32>
    %get3A_42 = vector.shape_cast %get3A_41 : vector<1x2048x64xf32> to vector<2048x64xf32>
    %get3A_43 = arith.constant 3 : index
    %get3A_44 = arith.constant 0 : index
    %get3A_45 = arith.constant 0 : index
    %get3A_46 = vector.load %arg2[%get3A_43, %get3A_44, %get3A_45] : memref<4x2048x64xf32, #tpu.memory_space<vmem>>, vector<1x2048x64xf32>
    %get3A_47 = vector.shape_cast %get3A_46 : vector<1x2048x64xf32> to vector<2048x64xf32>
    %concatenate3A_48 = tpu.concatenate %get3A_32, %get3A_37, %get3A_42, %get3A_47 in 1 : vector<2048x64xf32>, vector<2048x64xf32>, vector<2048x64xf32>, vector<2048x64xf32> -> vector<2048x256xf32>
    %convert_element_type3A_49 = arith.truncf %cos3A : vector<256x2048xf32> to vector<256x2048xbf16>
    %convert_element_type3A_50 = arith.extf %convert_element_type3A_49 : vector<256x2048xbf16> to vector<256x2048xf32>
    %sub3A = arith.subf %cos3A, %convert_element_type3A_50 : vector<256x2048xf32>
    %convert_element_type3A_51 = arith.truncf %sub3A : vector<256x2048xf32> to vector<256x2048xbf16>
    %convert_element_type3A_52 = arith.truncf %concatenate3A : vector<2048x256xf32> to vector<2048x256xbf16>
    %convert_element_type3A_53 = arith.extf %convert_element_type3A_52 : vector<2048x256xbf16> to vector<2048x256xf32>
    %sub3A_54 = arith.subf %concatenate3A, %convert_element_type3A_53 : vector<2048x256xf32>
    %convert_element_type3A_55 = arith.truncf %sub3A_54 : vector<2048x256xf32> to vector<2048x256xbf16>
    %dot_general3A = arith.constant dense<0.000000e+00> : vector<256x256xf32>
    %dot_general3A_56 = tpu.matmul %convert_element_type3A_49, %convert_element_type3A_52, %dot_general3A {dimension_numbers = #tpu.dot_dimension_numbers<[1], [0], [0], [1], [0, 0, 1, 1], [], []>, transpose_lhs_hint = false} : vector<256x2048xbf16>, vector<2048x256xbf16>, vector<256x256xf32> -> vector<256x256xf32>
    %dot_general3A_57 = arith.constant dense<0.000000e+00> : vector<256x256xf32>
    %dot_general3A_58 = tpu.matmul %convert_element_type3A_49, %convert_element_type3A_55, %dot_general3A_57 {dimension_numbers = #tpu.dot_dimension_numbers<[1], [0], [0], [1], [0, 0, 1, 1], [], []>, transpose_lhs_hint = false} : vector<256x2048xbf16>, vector<2048x256xbf16>, vector<256x256xf32> -> vector<256x256xf32>
    %dot_general3A_59 = arith.constant dense<0.000000e+00> : vector<256x256xf32>
    %dot_general3A_60 = tpu.matmul %convert_element_type3A_51, %convert_element_type3A_52, %dot_general3A_59 {dimension_numbers = #tpu.dot_dimension_numbers<[1], [0], [0], [1], [0, 0, 1, 1], [], []>, transpose_lhs_hint = false} : vector<256x2048xbf16>, vector<2048x256xbf16>, vector<256x256xf32> -> vector<256x256xf32>
    %add3A_61 = arith.addf %dot_general3A_58, %dot_general3A_60 : vector<256x256xf32>
    %add3A_62 = arith.addf %dot_general3A_56, %add3A_61 : vector<256x256xf32>
    %convert_element_type3A_63 = arith.truncf %sin3A : vector<256x2048xf32> to vector<256x2048xbf16>
    %convert_element_type3A_64 = arith.extf %convert_element_type3A_63 : vector<256x2048xbf16> to vector<256x2048xf32>
    %sub3A_65 = arith.subf %sin3A, %convert_element_type3A_64 : vector<256x2048xf32>
    %convert_element_type3A_66 = arith.truncf %sub3A_65 : vector<256x2048xf32> to vector<256x2048xbf16>
    %convert_element_type3A_67 = arith.truncf %concatenate3A : vector<2048x256xf32> to vector<2048x256xbf16>
    %convert_element_type3A_68 = arith.extf %convert_element_type3A_67 : vector<2048x256xbf16> to vector<2048x256xf32>
    %sub3A_69 = arith.subf %concatenate3A, %convert_element_type3A_68 : vector<2048x256xf32>
    %convert_element_type3A_70 = arith.truncf %sub3A_69 : vector<2048x256xf32> to vector<2048x256xbf16>
    %dot_general3A_71 = arith.constant dense<0.000000e+00> : vector<256x256xf32>
    %dot_general3A_72 = tpu.matmul %convert_element_type3A_63, %convert_element_type3A_67, %dot_general3A_71 {dimension_numbers = #tpu.dot_dimension_numbers<[1], [0], [0], [1], [0, 0, 1, 1], [], []>, transpose_lhs_hint = false} : vector<256x2048xbf16>, vector<2048x256xbf16>, vector<256x256xf32> -> vector<256x256xf32>
    %dot_general3A_73 = arith.constant dense<0.000000e+00> : vector<256x256xf32>
    %dot_general3A_74 = tpu.matmul %convert_element_type3A_63, %convert_element_type3A_70, %dot_general3A_73 {dimension_numbers = #tpu.dot_dimension_numbers<[1], [0], [0], [1], [0, 0, 1, 1], [], []>, transpose_lhs_hint = false} : vector<256x2048xbf16>, vector<2048x256xbf16>, vector<256x256xf32> -> vector<256x256xf32>
    %dot_general3A_75 = arith.constant dense<0.000000e+00> : vector<256x256xf32>
    %dot_general3A_76 = tpu.matmul %convert_element_type3A_66, %convert_element_type3A_67, %dot_general3A_75 {dimension_numbers = #tpu.dot_dimension_numbers<[1], [0], [0], [1], [0, 0, 1, 1], [], []>, transpose_lhs_hint = false} : vector<256x2048xbf16>, vector<2048x256xbf16>, vector<256x256xf32> -> vector<256x256xf32>
    %add3A_77 = arith.addf %dot_general3A_74, %dot_general3A_76 : vector<256x256xf32>
    %add3A_78 = arith.addf %dot_general3A_72, %add3A_77 : vector<256x256xf32>
    %neg3A = arith.constant 0.000000e+00 : f32
    %neg3A_79 = vector.broadcast %neg3A : f32 to vector<256x256xf32>
    %neg3A_80 = arith.subf %neg3A_79, %add3A_78 : vector<256x256xf32>
    %convert_element_type3A_81 = arith.truncf %cos3A : vector<256x2048xf32> to vector<256x2048xbf16>
    %convert_element_type3A_82 = arith.extf %convert_element_type3A_81 : vector<256x2048xbf16> to vector<256x2048xf32>
    %sub3A_83 = arith.subf %cos3A, %convert_element_type3A_82 : vector<256x2048xf32>
    %convert_element_type3A_84 = arith.truncf %sub3A_83 : vector<256x2048xf32> to vector<256x2048xbf16>
    %convert_element_type3A_85 = arith.truncf %concatenate3A_48 : vector<2048x256xf32> to vector<2048x256xbf16>
    %convert_element_type3A_86 = arith.extf %convert_element_type3A_85 : vector<2048x256xbf16> to vector<2048x256xf32>
    %sub3A_87 = arith.subf %concatenate3A_48, %convert_element_type3A_86 : vector<2048x256xf32>
    %convert_element_type3A_88 = arith.truncf %sub3A_87 : vector<2048x256xf32> to vector<2048x256xbf16>
    %dot_general3A_89 = arith.constant dense<0.000000e+00> : vector<256x256xf32>
    %dot_general3A_90 = tpu.matmul %convert_element_type3A_81, %convert_element_type3A_85, %dot_general3A_89 {dimension_numbers = #tpu.dot_dimension_numbers<[1], [0], [0], [1], [0, 0, 1, 1], [], []>, transpose_lhs_hint = false} : vector<256x2048xbf16>, vector<2048x256xbf16>, vector<256x256xf32> -> vector<256x256xf32>
    %dot_general3A_91 = arith.constant dense<0.000000e+00> : vector<256x256xf32>
    %dot_general3A_92 = tpu.matmul %convert_element_type3A_81, %convert_element_type3A_88, %dot_general3A_91 {dimension_numbers = #tpu.dot_dimension_numbers<[1], [0], [0], [1], [0, 0, 1, 1], [], []>, transpose_lhs_hint = false} : vector<256x2048xbf16>, vector<2048x256xbf16>, vector<256x256xf32> -> vector<256x256xf32>
    %dot_general3A_93 = arith.constant dense<0.000000e+00> : vector<256x256xf32>
    %dot_general3A_94 = tpu.matmul %convert_element_type3A_84, %convert_element_type3A_85, %dot_general3A_93 {dimension_numbers = #tpu.dot_dimension_numbers<[1], [0], [0], [1], [0, 0, 1, 1], [], []>, transpose_lhs_hint = false} : vector<256x2048xbf16>, vector<2048x256xbf16>, vector<256x256xf32> -> vector<256x256xf32>
    %add3A_95 = arith.addf %dot_general3A_92, %dot_general3A_94 : vector<256x256xf32>
    %add3A_96 = arith.addf %dot_general3A_90, %add3A_95 : vector<256x256xf32>
    %convert_element_type3A_97 = arith.truncf %sin3A : vector<256x2048xf32> to vector<256x2048xbf16>
    %convert_element_type3A_98 = arith.extf %convert_element_type3A_97 : vector<256x2048xbf16> to vector<256x2048xf32>
    %sub3A_99 = arith.subf %sin3A, %convert_element_type3A_98 : vector<256x2048xf32>
    %convert_element_type3A_100 = arith.truncf %sub3A_99 : vector<256x2048xf32> to vector<256x2048xbf16>
    %convert_element_type3A_101 = arith.truncf %concatenate3A_48 : vector<2048x256xf32> to vector<2048x256xbf16>
    %convert_element_type3A_102 = arith.extf %convert_element_type3A_101 : vector<2048x256xbf16> to vector<2048x256xf32>
    %sub3A_103 = arith.subf %concatenate3A_48, %convert_element_type3A_102 : vector<2048x256xf32>
    %convert_element_type3A_104 = arith.truncf %sub3A_103 : vector<2048x256xf32> to vector<2048x256xbf16>
    %dot_general3A_105 = arith.constant dense<0.000000e+00> : vector<256x256xf32>
    %dot_general3A_106 = tpu.matmul %convert_element_type3A_97, %convert_element_type3A_101, %dot_general3A_105 {dimension_numbers = #tpu.dot_dimension_numbers<[1], [0], [0], [1], [0, 0, 1, 1], [], []>, transpose_lhs_hint = false} : vector<256x2048xbf16>, vector<2048x256xbf16>, vector<256x256xf32> -> vector<256x256xf32>
    %dot_general3A_107 = arith.constant dense<0.000000e+00> : vector<256x256xf32>
    %dot_general3A_108 = tpu.matmul %convert_element_type3A_97, %convert_element_type3A_104, %dot_general3A_107 {dimension_numbers = #tpu.dot_dimension_numbers<[1], [0], [0], [1], [0, 0, 1, 1], [], []>, transpose_lhs_hint = false} : vector<256x2048xbf16>, vector<2048x256xbf16>, vector<256x256xf32> -> vector<256x256xf32>
    %dot_general3A_109 = arith.constant dense<0.000000e+00> : vector<256x256xf32>
    %dot_general3A_110 = tpu.matmul %convert_element_type3A_100, %convert_element_type3A_101, %dot_general3A_109 {dimension_numbers = #tpu.dot_dimension_numbers<[1], [0], [0], [1], [0, 0, 1, 1], [], []>, transpose_lhs_hint = false} : vector<256x2048xbf16>, vector<2048x256xbf16>, vector<256x256xf32> -> vector<256x256xf32>
    %add3A_111 = arith.addf %dot_general3A_108, %dot_general3A_110 : vector<256x256xf32>
    %add3A_112 = arith.addf %dot_general3A_106, %add3A_111 : vector<256x256xf32>
    %neg3A_113 = arith.constant 0.000000e+00 : f32
    %neg3A_114 = vector.broadcast %neg3A_113 : f32 to vector<256x256xf32>
    %neg3A_115 = arith.subf %neg3A_114, %add3A_112 : vector<256x256xf32>
    %iota3A_116 = tpu.iota {dimensions = array<i32: 0>} : vector<256x1xi32>
    %mul3A_117 = arith.constant 256 : i32
    %mul3A_118 = arith.muli %arg0, %mul3A_117 : i32
    %add3A_119 = vector.broadcast %mul3A_118 : i32 to vector<256x1xi32>
    %add3A_120 = arith.addi %iota3A_116, %add3A_119 : vector<256x1xi32>
    %eq3A = arith.constant 0 : i32
    %eq3A_121 = vector.broadcast %eq3A : i32 to vector<256x1xi32>
    %eq3A_122 = arith.cmpi eq, %add3A_120, %eq3A_121 : vector<256x1xi32>
    %jit3A = arith.constant 4.8828125E-4 : f32
    %jit3A_123 = arith.constant 9.765625E-4 : f32
    %broadcast_in_dim3A = vector.broadcast %jit3A : f32 to vector<256x1xf32>
    %broadcast_in_dim3A_124 = vector.broadcast %jit3A_123 : f32 to vector<256x1xf32>
    %select_n3A = arith.select %eq3A_122, %broadcast_in_dim3A, %broadcast_in_dim3A_124 : vector<256x1xi1>, vector<256x1xf32>
    %mul3A_125 = arith.mulf %add3A_62, %add3A_96 : vector<256x256xf32>
    %mul3A_126 = arith.mulf %neg3A_80, %neg3A_115 : vector<256x256xf32>
    %add3A_127 = arith.addf %mul3A_125, %mul3A_126 : vector<256x256xf32>
    %mul3A_128 = vector.broadcast %select_n3A : vector<256x1xf32> to vector<256x256xf32>
    %mul3A_129 = arith.mulf %add3A_127, %mul3A_128 : vector<256x256xf32>
    %swap3A = arith.constant 0 : index
    %swap3A_130 = arith.constant 0 : index
    %swap3A_131 = vector.load %arg3[%swap3A, %swap3A_130] : memref<256x256xf32, #tpu.memory_space<vmem>>, vector<256x256xf32>
    tpu.vector_store %arg3[%swap3A, %swap3A_130], %mul3A_129 {strides = array<i32>} : memref<256x256xf32, #tpu.memory_space<vmem>>, vector<256x256xf32>,
    %mul3A_132 = arith.mulf %neg3A_80, %add3A_96 : vector<256x256xf32>
    %mul3A_133 = arith.mulf %add3A_62, %neg3A_115 : vector<256x256xf32>
    %sub3A_134 = arith.subf %mul3A_132, %mul3A_133 : vector<256x256xf32>
    %mul3A_135 = vector.broadcast %select_n3A : vector<256x1xf32> to vector<256x256xf32>
    %mul3A_136 = arith.mulf %sub3A_134, %mul3A_135 : vector<256x256xf32>
    %swap3A_137 = arith.constant 0 : index
    %swap3A_138 = arith.constant 0 : index
    %swap3A_139 = vector.load %arg4[%swap3A_137, %swap3A_138] : memref<256x256xf32, #tpu.memory_space<vmem>>, vector<256x256xf32>
    tpu.vector_store %arg4[%swap3A_137, %swap3A_138], %mul3A_136 {strides = array<i32>} : memref<256x256xf32, #tpu.memory_space<vmem>>, vector<256x256xf32>,
    %eq3A_140 = arith.constant 0 : i32
    %eq3A_141 = arith.cmpi eq, %arg0, %eq3A_140 : i32
    %convert_element_type3A_142 = arith.extui %eq3A_141 : i1 to i32
    %cond3A = arith.constant 0 : i32
    %cond3A_143 = arith.cmpi ne, %convert_element_type3A_142, %cond3A : i32
    scf.if %cond3A_143 {
      %iota3A_144 = tpu.iota {dimensions = array<i32: 0>} : vector<2048x1xi32>
      %and3A_145 = arith.constant 1 : i32
      %and3A_146 = vector.broadcast %and3A_145 : i32 to vector<2048x1xi32>
      %and3A_147 = arith.andi %iota3A_144, %and3A_146 : vector<2048x1xi32>
      %mul3A_148 = arith.constant 2 : i32
      %mul3A_149 = vector.broadcast %mul3A_148 : i32 to vector<2048x1xi32>
      %mul3A_150 = arith.muli %mul3A_149, %and3A_147 : vector<2048x1xi32>
      %sub3A_151 = arith.constant 1 : i32
      %sub3A_152 = vector.broadcast %sub3A_151 : i32 to vector<2048x1xi32>
      %sub3A_153 = arith.subi %sub3A_152, %mul3A_150 : vector<2048x1xi32>
      %convert_element_type3A_154 = arith.sitofp %sub3A_153 : vector<2048x1xi32> to vector<2048x1xf32>
      %mul3A_155 = vector.broadcast %convert_element_type3A_154 : vector<2048x1xf32> to vector<2048x256xf32>
      %mul3A_156 = arith.mulf %concatenate3A, %mul3A_155 : vector<2048x256xf32>
      %reduce_sum3A = arith.constant dense<0.000000e+00> : vector<256xf32>
      %reduce_sum3A_157 = vector.multi_reduction <add>, %mul3A_156, %reduce_sum3A [0] : vector<2048x256xf32> to vector<256xf32>
      %broadcast_in_dim3A_158 = vector.shape_cast %reduce_sum3A_157 : vector<256xf32> to vector<1x256xf32>
      %mul3A_159 = vector.broadcast %convert_element_type3A_154 : vector<2048x1xf32> to vector<2048x256xf32>
      %mul3A_160 = arith.mulf %concatenate3A_48, %mul3A_159 : vector<2048x256xf32>
      %reduce_sum3A_161 = arith.constant dense<0.000000e+00> : vector<256xf32>
      %reduce_sum3A_162 = vector.multi_reduction <add>, %mul3A_160, %reduce_sum3A_161 [0] : vector<2048x256xf32> to vector<256xf32>
      %broadcast_in_dim3A_163 = vector.shape_cast %reduce_sum3A_162 : vector<256xf32> to vector<1x256xf32>
      %mul3A_164 = arith.mulf %broadcast_in_dim3A_158, %broadcast_in_dim3A_163 : vector<1x256xf32>
      %mul3A_165 = arith.constant 4.8828125E-4 : f32
      %mul3A_166 = vector.broadcast %mul3A_165 : f32 to vector<1x256xf32>
      %mul3A_167 = arith.mulf %mul3A_164, %mul3A_166 : vector<1x256xf32>
      %swap3A_168 = arith.constant 0 : index
      %swap3A_169 = arith.constant 0 : index
      %swap3A_170 = vector.load %arg5[%swap3A_168, %swap3A_169] : memref<1x256xf32, #tpu.memory_space<vmem>>, vector<1x256xf32>
      tpu.vector_store %arg5[%swap3A_168, %swap3A_169], %mul3A_167 {strides = array<i32>} : memref<1x256xf32, #tpu.memory_space<vmem>>, vector<1x256xf32>,
    } else {
    }
    return
  }
  func.func @transform_0(%arg0: i32) -> (i32, i32, i32) {
    %c0_i32 = arith.constant 0 : i32
    %c0_i32_0 = arith.constant 0 : i32
    %c0_i32_1 = arith.constant 0 : i32
    %c0_i32_2 = arith.constant 0 : i32
    return %c0_i32, %c0_i32_0, %c0_i32_1 : i32, i32, i32
  }
  func.func @transform_1(%arg0: i32) -> (i32, i32, i32) {
    %c0_i32 = arith.constant 0 : i32
    %c0_i32_0 = arith.constant 0 : i32
    %c0_i32_1 = arith.constant 0 : i32
    %c0_i32_2 = arith.constant 0 : i32
    return %c0_i32, %c0_i32_0, %c0_i32_1 : i32, i32, i32
  }
  func.func @transform_2(%arg0: i32) -> (i32, i32) {
    %c0_i32 = arith.constant 0 : i32
    %c0_i32_0 = arith.constant 0 : i32
    return %arg0, %c0_i32 : i32, i32
  }
  func.func @transform_3(%arg0: i32) -> (i32, i32) {
    %c0_i32 = arith.constant 0 : i32
    %c0_i32_0 = arith.constant 0 : i32
    return %arg0, %c0_i32 : i32, i32
  }
  func.func @transform_4(%arg0: i32) -> (i32, i32) {
    %c0_i32 = arith.constant 0 : i32
    %c0_i32_0 = arith.constant 0 : i32
    %c0_i32_1 = arith.constant 0 : i32
    return %c0_i32, %c0_i32_0 : i32, i32
  }
}

module attributes {stable_mosaic.version = 14 : i64} {
  func.func @_topk_kernel(%arg0: memref<2048x256xf32, #tpu.memory_space<vmem>>, %arg1: memref<256x256xf32, #tpu.memory_space<vmem>>, %arg2: memref<256x256xi32, #tpu.memory_space<vmem>>) attributes {dimension_semantics = [], scalar_prefetch = 0 : i64, scratch_operands = 0 : i64, tpu.core_type = #tpu.core_type<tc>} {
    %get3A = arith.constant 0 : index
    %get3A_0 = arith.constant 0 : index
    %get3A_1 = vector.load %arg0[%get3A, %get3A_0] : memref<2048x256xf32, #tpu.memory_space<vmem>>, vector<2048x256xf32>
    %iota3A = tpu.iota {dimensions = array<i32: 0>} : vector<2048x256xi32>
    %reduce_max3A = arith.constant dense<0xFF800000> : vector<256xf32>
    %reduce_max3A_2 = vector.multi_reduction <maximumf>, %get3A_1, %reduce_max3A [0] : vector<2048x256xf32> to vector<256xf32>
    %broadcast_in_dim3A = vector.shape_cast %reduce_max3A_2 : vector<256xf32> to vector<1x256xf32>
    %eq3A = vector.broadcast %broadcast_in_dim3A : vector<1x256xf32> to vector<2048x256xf32>
    %eq3A_3 = arith.cmpf oeq, %get3A_1, %eq3A : vector<2048x256xf32>
    %jit3A = arith.constant 2048 : i32
    %broadcast_in_dim3A_4 = vector.broadcast %jit3A : i32 to vector<2048x256xi32>
    %select_n3A = arith.select %eq3A_3, %iota3A, %broadcast_in_dim3A_4 : vector<2048x256xi1>, vector<2048x256xi32>
    %reduce_min3A = arith.constant dense<2147483647> : vector<256xi32>
    %reduce_min3A_5 = vector.multi_reduction <minsi>, %select_n3A, %reduce_min3A [0] : vector<2048x256xi32> to vector<256xi32>
    %broadcast_in_dim3A_6 = vector.shape_cast %reduce_min3A_5 : vector<256xi32> to vector<1x256xi32>
    %eq3A_7 = vector.broadcast %broadcast_in_dim3A_6 : vector<1x256xi32> to vector<2048x256xi32>
    %eq3A_8 = arith.cmpi eq, %iota3A, %eq3A_7 : vector<2048x256xi32>
    %jit3A_9 = arith.constant -1.000000e+00 : f32
    %broadcast_in_dim3A_10 = vector.broadcast %jit3A_9 : f32 to vector<2048x256xf32>
    %select_n3A_11 = arith.select %eq3A_8, %broadcast_in_dim3A_10, %get3A_1 : vector<2048x256xi1>, vector<2048x256xf32>
    %reduce_max3A_12 = arith.constant dense<0xFF800000> : vector<256xf32>
    %reduce_max3A_13 = vector.multi_reduction <maximumf>, %select_n3A_11, %reduce_max3A_12 [0] : vector<2048x256xf32> to vector<256xf32>
    %broadcast_in_dim3A_14 = vector.shape_cast %reduce_max3A_13 : vector<256xf32> to vector<1x256xf32>
    %eq3A_15 = vector.broadcast %broadcast_in_dim3A_14 : vector<1x256xf32> to vector<2048x256xf32>
    %eq3A_16 = arith.cmpf oeq, %select_n3A_11, %eq3A_15 : vector<2048x256xf32>
    %jit3A_17 = arith.constant 2048 : i32
    %broadcast_in_dim3A_18 = vector.broadcast %jit3A_17 : i32 to vector<2048x256xi32>
    %select_n3A_19 = arith.select %eq3A_16, %iota3A, %broadcast_in_dim3A_18 : vector<2048x256xi1>, vector<2048x256xi32>
    %reduce_min3A_20 = arith.constant dense<2147483647> : vector<256xi32>
    %reduce_min3A_21 = vector.multi_reduction <minsi>, %select_n3A_19, %reduce_min3A_20 [0] : vector<2048x256xi32> to vector<256xi32>
    %broadcast_in_dim3A_22 = vector.shape_cast %reduce_min3A_21 : vector<256xi32> to vector<1x256xi32>
    %eq3A_23 = vector.broadcast %broadcast_in_dim3A_22 : vector<1x256xi32> to vector<2048x256xi32>
    %eq3A_24 = arith.cmpi eq, %iota3A, %eq3A_23 : vector<2048x256xi32>
    %jit3A_25 = arith.constant -1.000000e+00 : f32
    %broadcast_in_dim3A_26 = vector.broadcast %jit3A_25 : f32 to vector<2048x256xf32>
    %select_n3A_27 = arith.select %eq3A_24, %broadcast_in_dim3A_26, %select_n3A_11 : vector<2048x256xi1>, vector<2048x256xf32>
    %reduce_max3A_28 = arith.constant dense<0xFF800000> : vector<256xf32>
    %reduce_max3A_29 = vector.multi_reduction <maximumf>, %select_n3A_27, %reduce_max3A_28 [0] : vector<2048x256xf32> to vector<256xf32>
    %broadcast_in_dim3A_30 = vector.shape_cast %reduce_max3A_29 : vector<256xf32> to vector<1x256xf32>
    %eq3A_31 = vector.broadcast %broadcast_in_dim3A_30 : vector<1x256xf32> to vector<2048x256xf32>
    %eq3A_32 = arith.cmpf oeq, %select_n3A_27, %eq3A_31 : vector<2048x256xf32>
    %jit3A_33 = arith.constant 2048 : i32
    %broadcast_in_dim3A_34 = vector.broadcast %jit3A_33 : i32 to vector<2048x256xi32>
    %select_n3A_35 = arith.select %eq3A_32, %iota3A, %broadcast_in_dim3A_34 : vector<2048x256xi1>, vector<2048x256xi32>
    %reduce_min3A_36 = arith.constant dense<2147483647> : vector<256xi32>
    %reduce_min3A_37 = vector.multi_reduction <minsi>, %select_n3A_35, %reduce_min3A_36 [0] : vector<2048x256xi32> to vector<256xi32>
    %broadcast_in_dim3A_38 = vector.shape_cast %reduce_min3A_37 : vector<256xi32> to vector<1x256xi32>
    %eq3A_39 = vector.broadcast %broadcast_in_dim3A_38 : vector<1x256xi32> to vector<2048x256xi32>
    %eq3A_40 = arith.cmpi eq, %iota3A, %eq3A_39 : vector<2048x256xi32>
    %jit3A_41 = arith.constant -1.000000e+00 : f32
    %broadcast_in_dim3A_42 = vector.broadcast %jit3A_41 : f32 to vector<2048x256xf32>
    %select_n3A_43 = arith.select %eq3A_40, %broadcast_in_dim3A_42, %select_n3A_27 : vector<2048x256xi1>, vector<2048x256xf32>
    %reduce_max3A_44 = arith.constant dense<0xFF800000> : vector<256xf32>
    %reduce_max3A_45 = vector.multi_reduction <maximumf>, %select_n3A_43, %reduce_max3A_44 [0] : vector<2048x256xf32> to vector<256xf32>
    %broadcast_in_dim3A_46 = vector.shape_cast %reduce_max3A_45 : vector<256xf32> to vector<1x256xf32>
    %eq3A_47 = vector.broadcast %broadcast_in_dim3A_46 : vector<1x256xf32> to vector<2048x256xf32>
    %eq3A_48 = arith.cmpf oeq, %select_n3A_43, %eq3A_47 : vector<2048x256xf32>
    %jit3A_49 = arith.constant 2048 : i32
    %broadcast_in_dim3A_50 = vector.broadcast %jit3A_49 : i32 to vector<2048x256xi32>
    %select_n3A_51 = arith.select %eq3A_48, %iota3A, %broadcast_in_dim3A_50 : vector<2048x256xi1>, vector<2048x256xi32>
    %reduce_min3A_52 = arith.constant dense<2147483647> : vector<256xi32>
    %reduce_min3A_53 = vector.multi_reduction <minsi>, %select_n3A_51, %reduce_min3A_52 [0] : vector<2048x256xi32> to vector<256xi32>
    %broadcast_in_dim3A_54 = vector.shape_cast %reduce_min3A_53 : vector<256xi32> to vector<1x256xi32>
    %eq3A_55 = vector.broadcast %broadcast_in_dim3A_54 : vector<1x256xi32> to vector<2048x256xi32>
    %eq3A_56 = arith.cmpi eq, %iota3A, %eq3A_55 : vector<2048x256xi32>
    %jit3A_57 = arith.constant -1.000000e+00 : f32
    %broadcast_in_dim3A_58 = vector.broadcast %jit3A_57 : f32 to vector<2048x256xf32>
    %select_n3A_59 = arith.select %eq3A_56, %broadcast_in_dim3A_58, %select_n3A_43 : vector<2048x256xi1>, vector<2048x256xf32>
    %reduce_max3A_60 = arith.constant dense<0xFF800000> : vector<256xf32>
    %reduce_max3A_61 = vector.multi_reduction <maximumf>, %select_n3A_59, %reduce_max3A_60 [0] : vector<2048x256xf32> to vector<256xf32>
    %broadcast_in_dim3A_62 = vector.shape_cast %reduce_max3A_61 : vector<256xf32> to vector<1x256xf32>
    %eq3A_63 = vector.broadcast %broadcast_in_dim3A_62 : vector<1x256xf32> to vector<2048x256xf32>
    %eq3A_64 = arith.cmpf oeq, %select_n3A_59, %eq3A_63 : vector<2048x256xf32>
    %jit3A_65 = arith.constant 2048 : i32
    %broadcast_in_dim3A_66 = vector.broadcast %jit3A_65 : i32 to vector<2048x256xi32>
    %select_n3A_67 = arith.select %eq3A_64, %iota3A, %broadcast_in_dim3A_66 : vector<2048x256xi1>, vector<2048x256xi32>
    %reduce_min3A_68 = arith.constant dense<2147483647> : vector<256xi32>
    %reduce_min3A_69 = vector.multi_reduction <minsi>, %select_n3A_67, %reduce_min3A_68 [0] : vector<2048x256xi32> to vector<256xi32>
    %broadcast_in_dim3A_70 = vector.shape_cast %reduce_min3A_69 : vector<256xi32> to vector<1x256xi32>
    %eq3A_71 = vector.broadcast %broadcast_in_dim3A_70 : vector<1x256xi32> to vector<2048x256xi32>
    %eq3A_72 = arith.cmpi eq, %iota3A, %eq3A_71 : vector<2048x256xi32>
    %jit3A_73 = arith.constant -1.000000e+00 : f32
    %broadcast_in_dim3A_74 = vector.broadcast %jit3A_73 : f32 to vector<2048x256xf32>
    %select_n3A_75 = arith.select %eq3A_72, %broadcast_in_dim3A_74, %select_n3A_59 : vector<2048x256xi1>, vector<2048x256xf32>
    %reduce_max3A_76 = arith.constant dense<0xFF800000> : vector<256xf32>
    %reduce_max3A_77 = vector.multi_reduction <maximumf>, %select_n3A_75, %reduce_max3A_76 [0] : vector<2048x256xf32> to vector<256xf32>
    %broadcast_in_dim3A_78 = vector.shape_cast %reduce_max3A_77 : vector<256xf32> to vector<1x256xf32>
    %eq3A_79 = vector.broadcast %broadcast_in_dim3A_78 : vector<1x256xf32> to vector<2048x256xf32>
    %eq3A_80 = arith.cmpf oeq, %select_n3A_75, %eq3A_79 : vector<2048x256xf32>
    %jit3A_81 = arith.constant 2048 : i32
    %broadcast_in_dim3A_82 = vector.broadcast %jit3A_81 : i32 to vector<2048x256xi32>
    %select_n3A_83 = arith.select %eq3A_80, %iota3A, %broadcast_in_dim3A_82 : vector<2048x256xi1>, vector<2048x256xi32>
    %reduce_min3A_84 = arith.constant dense<2147483647> : vector<256xi32>
    %reduce_min3A_85 = vector.multi_reduction <minsi>, %select_n3A_83, %reduce_min3A_84 [0] : vector<2048x256xi32> to vector<256xi32>
    %broadcast_in_dim3A_86 = vector.shape_cast %reduce_min3A_85 : vector<256xi32> to vector<1x256xi32>
    %eq3A_87 = vector.broadcast %broadcast_in_dim3A_86 : vector<1x256xi32> to vector<2048x256xi32>
    %eq3A_88 = arith.cmpi eq, %iota3A, %eq3A_87 : vector<2048x256xi32>
    %jit3A_89 = arith.constant -1.000000e+00 : f32
    %broadcast_in_dim3A_90 = vector.broadcast %jit3A_89 : f32 to vector<2048x256xf32>
    %select_n3A_91 = arith.select %eq3A_88, %broadcast_in_dim3A_90, %select_n3A_75 : vector<2048x256xi1>, vector<2048x256xf32>
    %reduce_max3A_92 = arith.constant dense<0xFF800000> : vector<256xf32>
    %reduce_max3A_93 = vector.multi_reduction <maximumf>, %select_n3A_91, %reduce_max3A_92 [0] : vector<2048x256xf32> to vector<256xf32>
    %broadcast_in_dim3A_94 = vector.shape_cast %reduce_max3A_93 : vector<256xf32> to vector<1x256xf32>
    %eq3A_95 = vector.broadcast %broadcast_in_dim3A_94 : vector<1x256xf32> to vector<2048x256xf32>
    %eq3A_96 = arith.cmpf oeq, %select_n3A_91, %eq3A_95 : vector<2048x256xf32>
    %jit3A_97 = arith.constant 2048 : i32
    %broadcast_in_dim3A_98 = vector.broadcast %jit3A_97 : i32 to vector<2048x256xi32>
    %select_n3A_99 = arith.select %eq3A_96, %iota3A, %broadcast_in_dim3A_98 : vector<2048x256xi1>, vector<2048x256xi32>
    %reduce_min3A_100 = arith.constant dense<2147483647> : vector<256xi32>
    %reduce_min3A_101 = vector.multi_reduction <minsi>, %select_n3A_99, %reduce_min3A_100 [0] : vector<2048x256xi32> to vector<256xi32>
    %broadcast_in_dim3A_102 = vector.shape_cast %reduce_min3A_101 : vector<256xi32> to vector<1x256xi32>
    %eq3A_103 = vector.broadcast %broadcast_in_dim3A_102 : vector<1x256xi32> to vector<2048x256xi32>
    %eq3A_104 = arith.cmpi eq, %iota3A, %eq3A_103 : vector<2048x256xi32>
    %jit3A_105 = arith.constant -1.000000e+00 : f32
    %broadcast_in_dim3A_106 = vector.broadcast %jit3A_105 : f32 to vector<2048x256xf32>
    %select_n3A_107 = arith.select %eq3A_104, %broadcast_in_dim3A_106, %select_n3A_91 : vector<2048x256xi1>, vector<2048x256xf32>
    %reduce_max3A_108 = arith.constant dense<0xFF800000> : vector<256xf32>
    %reduce_max3A_109 = vector.multi_reduction <maximumf>, %select_n3A_107, %reduce_max3A_108 [0] : vector<2048x256xf32> to vector<256xf32>
    %broadcast_in_dim3A_110 = vector.shape_cast %reduce_max3A_109 : vector<256xf32> to vector<1x256xf32>
    %eq3A_111 = vector.broadcast %broadcast_in_dim3A_110 : vector<1x256xf32> to vector<2048x256xf32>
    %eq3A_112 = arith.cmpf oeq, %select_n3A_107, %eq3A_111 : vector<2048x256xf32>
    %jit3A_113 = arith.constant 2048 : i32
    %broadcast_in_dim3A_114 = vector.broadcast %jit3A_113 : i32 to vector<2048x256xi32>
    %select_n3A_115 = arith.select %eq3A_112, %iota3A, %broadcast_in_dim3A_114 : vector<2048x256xi1>, vector<2048x256xi32>
    %reduce_min3A_116 = arith.constant dense<2147483647> : vector<256xi32>
    %reduce_min3A_117 = vector.multi_reduction <minsi>, %select_n3A_115, %reduce_min3A_116 [0] : vector<2048x256xi32> to vector<256xi32>
    %broadcast_in_dim3A_118 = vector.shape_cast %reduce_min3A_117 : vector<256xi32> to vector<1x256xi32>
    %eq3A_119 = vector.broadcast %broadcast_in_dim3A_118 : vector<1x256xi32> to vector<2048x256xi32>
    %eq3A_120 = arith.cmpi eq, %iota3A, %eq3A_119 : vector<2048x256xi32>
    %jit3A_121 = arith.constant -1.000000e+00 : f32
    %broadcast_in_dim3A_122 = vector.broadcast %jit3A_121 : f32 to vector<2048x256xf32>
    %select_n3A_123 = arith.select %eq3A_120, %broadcast_in_dim3A_122, %select_n3A_107 : vector<2048x256xi1>, vector<2048x256xf32>
    %reduce_max3A_124 = arith.constant dense<0xFF800000> : vector<256xf32>
    %reduce_max3A_125 = vector.multi_reduction <maximumf>, %select_n3A_123, %reduce_max3A_124 [0] : vector<2048x256xf32> to vector<256xf32>
    %broadcast_in_dim3A_126 = vector.shape_cast %reduce_max3A_125 : vector<256xf32> to vector<1x256xf32>
    %eq3A_127 = vector.broadcast %broadcast_in_dim3A_126 : vector<1x256xf32> to vector<2048x256xf32>
    %eq3A_128 = arith.cmpf oeq, %select_n3A_123, %eq3A_127 : vector<2048x256xf32>
    %jit3A_129 = arith.constant 2048 : i32
    %broadcast_in_dim3A_130 = vector.broadcast %jit3A_129 : i32 to vector<2048x256xi32>
    %select_n3A_131 = arith.select %eq3A_128, %iota3A, %broadcast_in_dim3A_130 : vector<2048x256xi1>, vector<2048x256xi32>
    %reduce_min3A_132 = arith.constant dense<2147483647> : vector<256xi32>
    %reduce_min3A_133 = vector.multi_reduction <minsi>, %select_n3A_131, %reduce_min3A_132 [0] : vector<2048x256xi32> to vector<256xi32>
    %broadcast_in_dim3A_134 = vector.shape_cast %reduce_min3A_133 : vector<256xi32> to vector<1x256xi32>
    %eq3A_135 = vector.broadcast %broadcast_in_dim3A_134 : vector<1x256xi32> to vector<2048x256xi32>
    %eq3A_136 = arith.cmpi eq, %iota3A, %eq3A_135 : vector<2048x256xi32>
    %jit3A_137 = arith.constant -1.000000e+00 : f32
    %broadcast_in_dim3A_138 = vector.broadcast %jit3A_137 : f32 to vector<2048x256xf32>
    %select_n3A_139 = arith.select %eq3A_136, %broadcast_in_dim3A_138, %select_n3A_123 : vector<2048x256xi1>, vector<2048x256xf32>
    %reduce_max3A_140 = arith.constant dense<0xFF800000> : vector<256xf32>
    %reduce_max3A_141 = vector.multi_reduction <maximumf>, %select_n3A_139, %reduce_max3A_140 [0] : vector<2048x256xf32> to vector<256xf32>
    %broadcast_in_dim3A_142 = vector.shape_cast %reduce_max3A_141 : vector<256xf32> to vector<1x256xf32>
    %eq3A_143 = vector.broadcast %broadcast_in_dim3A_142 : vector<1x256xf32> to vector<2048x256xf32>
    %eq3A_144 = arith.cmpf oeq, %select_n3A_139, %eq3A_143 : vector<2048x256xf32>
    %jit3A_145 = arith.constant 2048 : i32
    %broadcast_in_dim3A_146 = vector.broadcast %jit3A_145 : i32 to vector<2048x256xi32>
    %select_n3A_147 = arith.select %eq3A_144, %iota3A, %broadcast_in_dim3A_146 : vector<2048x256xi1>, vector<2048x256xi32>
    %reduce_min3A_148 = arith.constant dense<2147483647> : vector<256xi32>
    %reduce_min3A_149 = vector.multi_reduction <minsi>, %select_n3A_147, %reduce_min3A_148 [0] : vector<2048x256xi32> to vector<256xi32>
    %broadcast_in_dim3A_150 = vector.shape_cast %reduce_min3A_149 : vector<256xi32> to vector<1x256xi32>
    %eq3A_151 = vector.broadcast %broadcast_in_dim3A_150 : vector<1x256xi32> to vector<2048x256xi32>
    %eq3A_152 = arith.cmpi eq, %iota3A, %eq3A_151 : vector<2048x256xi32>
    %jit3A_153 = arith.constant -1.000000e+00 : f32
    %broadcast_in_dim3A_154 = vector.broadcast %jit3A_153 : f32 to vector<2048x256xf32>
    %select_n3A_155 = arith.select %eq3A_152, %broadcast_in_dim3A_154, %select_n3A_139 : vector<2048x256xi1>, vector<2048x256xf32>
    %reduce_max3A_156 = arith.constant dense<0xFF800000> : vector<256xf32>
    %reduce_max3A_157 = vector.multi_reduction <maximumf>, %select_n3A_155, %reduce_max3A_156 [0] : vector<2048x256xf32> to vector<256xf32>
    %broadcast_in_dim3A_158 = vector.shape_cast %reduce_max3A_157 : vector<256xf32> to vector<1x256xf32>
    %eq3A_159 = vector.broadcast %broadcast_in_dim3A_158 : vector<1x256xf32> to vector<2048x256xf32>
    %eq3A_160 = arith.cmpf oeq, %select_n3A_155, %eq3A_159 : vector<2048x256xf32>
    %jit3A_161 = arith.constant 2048 : i32
    %broadcast_in_dim3A_162 = vector.broadcast %jit3A_161 : i32 to vector<2048x256xi32>
    %select_n3A_163 = arith.select %eq3A_160, %iota3A, %broadcast_in_dim3A_162 : vector<2048x256xi1>, vector<2048x256xi32>
    %reduce_min3A_164 = arith.constant dense<2147483647> : vector<256xi32>
    %reduce_min3A_165 = vector.multi_reduction <minsi>, %select_n3A_163, %reduce_min3A_164 [0] : vector<2048x256xi32> to vector<256xi32>
    %broadcast_in_dim3A_166 = vector.shape_cast %reduce_min3A_165 : vector<256xi32> to vector<1x256xi32>
    %eq3A_167 = vector.broadcast %broadcast_in_dim3A_166 : vector<1x256xi32> to vector<2048x256xi32>
    %eq3A_168 = arith.cmpi eq, %iota3A, %eq3A_167 : vector<2048x256xi32>
    %jit3A_169 = arith.constant -1.000000e+00 : f32
    %broadcast_in_dim3A_170 = vector.broadcast %jit3A_169 : f32 to vector<2048x256xf32>
    %select_n3A_171 = arith.select %eq3A_168, %broadcast_in_dim3A_170, %select_n3A_155 : vector<2048x256xi1>, vector<2048x256xf32>
    %reduce_max3A_172 = arith.constant dense<0xFF800000> : vector<256xf32>
    %reduce_max3A_173 = vector.multi_reduction <maximumf>, %select_n3A_171, %reduce_max3A_172 [0] : vector<2048x256xf32> to vector<256xf32>
    %broadcast_in_dim3A_174 = vector.shape_cast %reduce_max3A_173 : vector<256xf32> to vector<1x256xf32>
    %eq3A_175 = vector.broadcast %broadcast_in_dim3A_174 : vector<1x256xf32> to vector<2048x256xf32>
    %eq3A_176 = arith.cmpf oeq, %select_n3A_171, %eq3A_175 : vector<2048x256xf32>
    %jit3A_177 = arith.constant 2048 : i32
    %broadcast_in_dim3A_178 = vector.broadcast %jit3A_177 : i32 to vector<2048x256xi32>
    %select_n3A_179 = arith.select %eq3A_176, %iota3A, %broadcast_in_dim3A_178 : vector<2048x256xi1>, vector<2048x256xi32>
    %reduce_min3A_180 = arith.constant dense<2147483647> : vector<256xi32>
    %reduce_min3A_181 = vector.multi_reduction <minsi>, %select_n3A_179, %reduce_min3A_180 [0] : vector<2048x256xi32> to vector<256xi32>
    %broadcast_in_dim3A_182 = vector.shape_cast %reduce_min3A_181 : vector<256xi32> to vector<1x256xi32>
    %eq3A_183 = vector.broadcast %broadcast_in_dim3A_182 : vector<1x256xi32> to vector<2048x256xi32>
    %eq3A_184 = arith.cmpi eq, %iota3A, %eq3A_183 : vector<2048x256xi32>
    %jit3A_185 = arith.constant -1.000000e+00 : f32
    %broadcast_in_dim3A_186 = vector.broadcast %jit3A_185 : f32 to vector<2048x256xf32>
    %select_n3A_187 = arith.select %eq3A_184, %broadcast_in_dim3A_186, %select_n3A_171 : vector<2048x256xi1>, vector<2048x256xf32>
    %reduce_max3A_188 = arith.constant dense<0xFF800000> : vector<256xf32>
    %reduce_max3A_189 = vector.multi_reduction <maximumf>, %select_n3A_187, %reduce_max3A_188 [0] : vector<2048x256xf32> to vector<256xf32>
    %broadcast_in_dim3A_190 = vector.shape_cast %reduce_max3A_189 : vector<256xf32> to vector<1x256xf32>
    %eq3A_191 = vector.broadcast %broadcast_in_dim3A_190 : vector<1x256xf32> to vector<2048x256xf32>
    %eq3A_192 = arith.cmpf oeq, %select_n3A_187, %eq3A_191 : vector<2048x256xf32>
    %jit3A_193 = arith.constant 2048 : i32
    %broadcast_in_dim3A_194 = vector.broadcast %jit3A_193 : i32 to vector<2048x256xi32>
    %select_n3A_195 = arith.select %eq3A_192, %iota3A, %broadcast_in_dim3A_194 : vector<2048x256xi1>, vector<2048x256xi32>
    %reduce_min3A_196 = arith.constant dense<2147483647> : vector<256xi32>
    %reduce_min3A_197 = vector.multi_reduction <minsi>, %select_n3A_195, %reduce_min3A_196 [0] : vector<2048x256xi32> to vector<256xi32>
    %broadcast_in_dim3A_198 = vector.shape_cast %reduce_min3A_197 : vector<256xi32> to vector<1x256xi32>
    %eq3A_199 = vector.broadcast %broadcast_in_dim3A_198 : vector<1x256xi32> to vector<2048x256xi32>
    %eq3A_200 = arith.cmpi eq, %iota3A, %eq3A_199 : vector<2048x256xi32>
    %jit3A_201 = arith.constant -1.000000e+00 : f32
    %broadcast_in_dim3A_202 = vector.broadcast %jit3A_201 : f32 to vector<2048x256xf32>
    %select_n3A_203 = arith.select %eq3A_200, %broadcast_in_dim3A_202, %select_n3A_187 : vector<2048x256xi1>, vector<2048x256xf32>
    %reduce_max3A_204 = arith.constant dense<0xFF800000> : vector<256xf32>
    %reduce_max3A_205 = vector.multi_reduction <maximumf>, %select_n3A_203, %reduce_max3A_204 [0] : vector<2048x256xf32> to vector<256xf32>
    %broadcast_in_dim3A_206 = vector.shape_cast %reduce_max3A_205 : vector<256xf32> to vector<1x256xf32>
    %eq3A_207 = vector.broadcast %broadcast_in_dim3A_206 : vector<1x256xf32> to vector<2048x256xf32>
    %eq3A_208 = arith.cmpf oeq, %select_n3A_203, %eq3A_207 : vector<2048x256xf32>
    %jit3A_209 = arith.constant 2048 : i32
    %broadcast_in_dim3A_210 = vector.broadcast %jit3A_209 : i32 to vector<2048x256xi32>
    %select_n3A_211 = arith.select %eq3A_208, %iota3A, %broadcast_in_dim3A_210 : vector<2048x256xi1>, vector<2048x256xi32>
    %reduce_min3A_212 = arith.constant dense<2147483647> : vector<256xi32>
    %reduce_min3A_213 = vector.multi_reduction <minsi>, %select_n3A_211, %reduce_min3A_212 [0] : vector<2048x256xi32> to vector<256xi32>
    %broadcast_in_dim3A_214 = vector.shape_cast %reduce_min3A_213 : vector<256xi32> to vector<1x256xi32>
    %eq3A_215 = vector.broadcast %broadcast_in_dim3A_214 : vector<1x256xi32> to vector<2048x256xi32>
    %eq3A_216 = arith.cmpi eq, %iota3A, %eq3A_215 : vector<2048x256xi32>
    %jit3A_217 = arith.constant -1.000000e+00 : f32
    %broadcast_in_dim3A_218 = vector.broadcast %jit3A_217 : f32 to vector<2048x256xf32>
    %select_n3A_219 = arith.select %eq3A_216, %broadcast_in_dim3A_218, %select_n3A_203 : vector<2048x256xi1>, vector<2048x256xf32>
    %reduce_max3A_220 = arith.constant dense<0xFF800000> : vector<256xf32>
    %reduce_max3A_221 = vector.multi_reduction <maximumf>, %select_n3A_219, %reduce_max3A_220 [0] : vector<2048x256xf32> to vector<256xf32>
    %broadcast_in_dim3A_222 = vector.shape_cast %reduce_max3A_221 : vector<256xf32> to vector<1x256xf32>
    %eq3A_223 = vector.broadcast %broadcast_in_dim3A_222 : vector<1x256xf32> to vector<2048x256xf32>
    %eq3A_224 = arith.cmpf oeq, %select_n3A_219, %eq3A_223 : vector<2048x256xf32>
    %jit3A_225 = arith.constant 2048 : i32
    %broadcast_in_dim3A_226 = vector.broadcast %jit3A_225 : i32 to vector<2048x256xi32>
    %select_n3A_227 = arith.select %eq3A_224, %iota3A, %broadcast_in_dim3A_226 : vector<2048x256xi1>, vector<2048x256xi32>
    %reduce_min3A_228 = arith.constant dense<2147483647> : vector<256xi32>
    %reduce_min3A_229 = vector.multi_reduction <minsi>, %select_n3A_227, %reduce_min3A_228 [0] : vector<2048x256xi32> to vector<256xi32>
    %broadcast_in_dim3A_230 = vector.shape_cast %reduce_min3A_229 : vector<256xi32> to vector<1x256xi32>
    %concatenate3A = tpu.concatenate %broadcast_in_dim3A, %broadcast_in_dim3A_14, %broadcast_in_dim3A_30, %broadcast_in_dim3A_46, %broadcast_in_dim3A_62, %broadcast_in_dim3A_78, %broadcast_in_dim3A_94, %broadcast_in_dim3A_110, %broadcast_in_dim3A_126, %broadcast_in_dim3A_142, %broadcast_in_dim3A_158, %broadcast_in_dim3A_174, %broadcast_in_dim3A_190, %broadcast_in_dim3A_206, %broadcast_in_dim3A_222 in 0 : vector<1x256xf32>, vector<1x256xf32>, vector<1x256xf32>, vector<1x256xf32>, vector<1x256xf32>, vector<1x256xf32>, vector<1x256xf32>, vector<1x256xf32>, vector<1x256xf32>, vector<1x256xf32>, vector<1x256xf32>, vector<1x256xf32>, vector<1x256xf32>, vector<1x256xf32>, vector<1x256xf32> -> vector<15x256xf32>
    %slice3A = vector.extract_strided_slice %concatenate3A {offsets = [0, 0], sizes = [1, 256], strides = [1, 1]} : vector<15x256xf32> to vector<1x256xf32>
    %sub3A = vector.broadcast %slice3A : vector<1x256xf32> to vector<15x256xf32>
    %sub3A_231 = arith.subf %concatenate3A, %sub3A : vector<15x256xf32>
    %exp3A = math.exp %sub3A_231 : vector<15x256xf32>
    %reduce_sum3A = arith.constant dense<0.000000e+00> : vector<256xf32>
    %reduce_sum3A_232 = vector.multi_reduction <add>, %exp3A, %reduce_sum3A [0] : vector<15x256xf32> to vector<256xf32>
    %broadcast_in_dim3A_233 = vector.shape_cast %reduce_sum3A_232 : vector<256xf32> to vector<1x256xf32>
    %div3A = vector.broadcast %broadcast_in_dim3A_233 : vector<1x256xf32> to vector<15x256xf32>
    %div3A_234 = arith.divf %exp3A, %div3A : vector<15x256xf32>
    %broadcast_in_dim3A_235 = arith.constant 0.000000e+00 : f32
    %broadcast_in_dim3A_236 = vector.broadcast %broadcast_in_dim3A_235 : f32 to vector<1x256xf32>
    %concatenate3A_237 = tpu.concatenate %div3A_234, %broadcast_in_dim3A_236 in 0 : vector<15x256xf32>, vector<1x256xf32> -> vector<16x256xf32>
    %broadcast_in_dim3A_238 = arith.constant 0 : i32
    %broadcast_in_dim3A_239 = vector.broadcast %broadcast_in_dim3A_238 : i32 to vector<1x256xi32>
    %concatenate3A_240 = tpu.concatenate %broadcast_in_dim3A_6, %broadcast_in_dim3A_22, %broadcast_in_dim3A_38, %broadcast_in_dim3A_54, %broadcast_in_dim3A_70, %broadcast_in_dim3A_86, %broadcast_in_dim3A_102, %broadcast_in_dim3A_118, %broadcast_in_dim3A_134, %broadcast_in_dim3A_150, %broadcast_in_dim3A_166, %broadcast_in_dim3A_182, %broadcast_in_dim3A_198, %broadcast_in_dim3A_214, %broadcast_in_dim3A_230, %broadcast_in_dim3A_239 in 0 : vector<1x256xi32>, vector<1x256xi32>, vector<1x256xi32>, vector<1x256xi32>, vector<1x256xi32>, vector<1x256xi32>, vector<1x256xi32>, vector<1x256xi32>, vector<1x256xi32>, vector<1x256xi32>, vector<1x256xi32>, vector<1x256xi32>, vector<1x256xi32>, vector<1x256xi32>, vector<1x256xi32>, vector<1x256xi32> -> vector<16x256xi32>
    %iota3A_241 = tpu.iota {dimensions = array<i32: 1>} : vector<16x256xi32>
    %jit3A_242 = arith.constant 16 : i32
    %div3A_243 = vector.broadcast %jit3A_242 : i32 to vector<16x256xi32>
    %div3A_244 = arith.divsi %iota3A_241, %div3A_243 : vector<16x256xi32>
    %sign3A = arith.constant 0 : i32
    %sign3A_245 = vector.broadcast %sign3A : i32 to vector<16x256xi32>
    %sign3A_246 = arith.cmpi sgt, %iota3A_241, %sign3A_245 : vector<16x256xi32>
    %sign3A_247 = arith.extui %sign3A_246 : vector<16x256xi1> to vector<16x256xi32>
    %sign3A_248 = arith.constant 0 : i32
    %sign3A_249 = vector.broadcast %sign3A_248 : i32 to vector<16x256xi32>
    %sign3A_250 = arith.cmpi slt, %iota3A_241, %sign3A_249 : vector<16x256xi32>
    %sign3A_251 = arith.extui %sign3A_250 : vector<16x256xi1> to vector<16x256xi32>
    %sign3A_252 = arith.subi %sign3A_247, %sign3A_251 : vector<16x256xi32>
    %sign3A_253 = arith.constant 0 : i32
    %sign3A_254 = arith.cmpi sgt, %jit3A_242, %sign3A_253 : i32
    %sign3A_255 = arith.extui %sign3A_254 : i1 to i32
    %sign3A_256 = arith.constant 0 : i32
    %sign3A_257 = arith.cmpi slt, %jit3A_242, %sign3A_256 : i32
    %sign3A_258 = arith.extui %sign3A_257 : i1 to i32
    %sign3A_259 = arith.subi %sign3A_255, %sign3A_258 : i32
    %ne3A = vector.broadcast %sign3A_259 : i32 to vector<16x256xi32>
    %ne3A_260 = arith.cmpi ne, %sign3A_252, %ne3A : vector<16x256xi32>
    %rem3A = vector.broadcast %jit3A_242 : i32 to vector<16x256xi32>
    %rem3A_261 = arith.remsi %iota3A_241, %rem3A : vector<16x256xi32>
    %ne3A_262 = arith.constant 0 : i32
    %ne3A_263 = vector.broadcast %ne3A_262 : i32 to vector<16x256xi32>
    %ne3A_264 = arith.cmpi ne, %rem3A_261, %ne3A_263 : vector<16x256xi32>
    %and3A = arith.andi %ne3A_260, %ne3A_264 : vector<16x256xi1>
    %sub3A_265 = arith.constant 1 : i32
    %sub3A_266 = vector.broadcast %sub3A_265 : i32 to vector<16x256xi32>
    %sub3A_267 = arith.subi %div3A_244, %sub3A_266 : vector<16x256xi32>
    %select_n3A_268 = arith.select %and3A, %sub3A_267, %div3A_244 : vector<16x256xi1>, vector<16x256xi32>
    %iota3A_269 = tpu.iota {dimensions = array<i32: 0>} : vector<16x256xi32>
    %eq3A_270 = arith.cmpi eq, %select_n3A_268, %iota3A_269 : vector<16x256xi32>
    %convert_element_type3A = arith.extui %eq3A_270 : vector<16x256xi1> to vector<16x256xi32>
    %convert_element_type3A_271 = arith.sitofp %convert_element_type3A : vector<16x256xi32> to vector<16x256xf32>
    %dot_general3A = arith.constant dense<0.000000e+00> : vector<256x256xf32>
    %dot_general3A_272 = tpu.matmul %concatenate3A_237, %convert_element_type3A_271, %dot_general3A {dimension_numbers = #tpu.dot_dimension_numbers<[0], [0], [1], [1], [0, 1, 1, 1], [], []>, precision = #tpu.contract_precision<fp32>, transpose_lhs_hint = false} : vector<16x256xf32>, vector<16x256xf32>, vector<256x256xf32> -> vector<256x256xf32>
    %swap3A = arith.constant 0 : index
    %swap3A_273 = arith.constant 0 : index
    %swap3A_274 = vector.load %arg1[%swap3A, %swap3A_273] : memref<256x256xf32, #tpu.memory_space<vmem>>, vector<256x256xf32>
    tpu.vector_store %arg1[%swap3A, %swap3A_273], %dot_general3A_272 {strides = array<i32>} : memref<256x256xf32, #tpu.memory_space<vmem>>, vector<256x256xf32>,
    %convert_element_type3A_275 = arith.sitofp %concatenate3A_240 : vector<16x256xi32> to vector<16x256xf32>
    %dot_general3A_276 = arith.constant dense<0.000000e+00> : vector<256x256xf32>
    %dot_general3A_277 = tpu.matmul %convert_element_type3A_275, %convert_element_type3A_271, %dot_general3A_276 {dimension_numbers = #tpu.dot_dimension_numbers<[0], [0], [1], [1], [0, 1, 1, 1], [], []>, precision = #tpu.contract_precision<fp32>, transpose_lhs_hint = false} : vector<16x256xf32>, vector<16x256xf32>, vector<256x256xf32> -> vector<256x256xf32>
    %add3A = arith.constant 5.000000e-01 : f32
    %add3A_278 = vector.broadcast %add3A : f32 to vector<256x256xf32>
    %add3A_279 = arith.addf %dot_general3A_277, %add3A_278 : vector<256x256xf32>
    %convert_element_type3A_280 = arith.fptosi %add3A_279 : vector<256x256xf32> to vector<256x256xi32>
    %swap3A_281 = arith.constant 0 : index
    %swap3A_282 = arith.constant 0 : index
    %swap3A_283 = vector.load %arg2[%swap3A_281, %swap3A_282] : memref<256x256xi32, #tpu.memory_space<vmem>>, vector<256x256xi32>
    tpu.vector_store %arg2[%swap3A_281, %swap3A_282], %convert_element_type3A_280 {strides = array<i32>} : memref<256x256xi32, #tpu.memory_space<vmem>>, vector<256x256xi32>,
    return
  }
}

module attributes {stable_mosaic.version = 14 : i64} {
  func.func @_proj_kernel(%arg0: i32, %arg1: i32, %arg2: memref<1x2048x256xf32, #tpu.memory_space<vmem>>, %arg3: memref<1x2048x256xf32, #tpu.memory_space<vmem>>, %arg4: memref<1x2048x256xf32, #tpu.memory_space<vmem>>, %arg5: memref<256x64xf32, #tpu.memory_space<vmem>>, %arg6: memref<1x64xf32, #tpu.memory_space<vmem>>, %arg7: memref<64x1xf32, #tpu.memory_space<vmem>>, %arg8: memref<1x2048x64xf32, #tpu.memory_space<vmem>>, %arg9: memref<1x2048x64xf32, #tpu.memory_space<vmem>>, %arg10: memref<1x64x2048xf32, #tpu.memory_space<vmem>>) attributes {dimension_semantics = [#tpu.dimension_semantics<arbitrary>, #tpu.dimension_semantics<arbitrary>], iteration_bounds = array<i64: 4, 4>, scalar_prefetch = 0 : i64, scratch_operands = 0 : i64, tpu.core_type = #tpu.core_type<tc>, window_params = [{transform_indices = @transform_0, window_bounds = array<i64: 1, 2048, 256>}, {transform_indices = @transform_1, window_bounds = array<i64: 1, 2048, 256>}, {transform_indices = @transform_2, window_bounds = array<i64: 1, 2048, 256>}, {transform_indices = @transform_3, window_bounds = array<i64: 256, 64>}, {pipeline_mode = #tpu.pipeline_mode<synchronous>, transform_indices = @transform_4, window_bounds = array<i64: 1, 64>}, {pipeline_mode = #tpu.pipeline_mode<synchronous>, transform_indices = @transform_5, window_bounds = array<i64: 64, 1>}, {transform_indices = @transform_6, window_bounds = array<i64: 1, 2048, 64>}, {transform_indices = @transform_7, window_bounds = array<i64: 1, 2048, 64>}, {transform_indices = @transform_8, window_bounds = array<i64: 1, 64, 2048>}]} {
    %get3A = arith.constant 0 : index
    %get3A_0 = arith.constant 0 : index
    %get3A_1 = vector.load %arg5[%get3A, %get3A_0] : memref<256x64xf32, #tpu.memory_space<vmem>>, vector<256x64xf32>
    %convert_element_type3A = arith.truncf %get3A_1 : vector<256x64xf32> to vector<256x64xbf16>
    %get3A_2 = arith.constant 0 : index
    %get3A_3 = arith.constant 0 : index
    %get3A_4 = arith.constant 0 : index
    %get3A_5 = vector.load %arg2[%get3A_2, %get3A_3, %get3A_4] : memref<1x2048x256xf32, #tpu.memory_space<vmem>>, vector<1x2048x256xf32>
    %get3A_6 = vector.shape_cast %get3A_5 : vector<1x2048x256xf32> to vector<2048x256xf32>
    %convert_element_type3A_7 = arith.truncf %get3A_6 : vector<2048x256xf32> to vector<2048x256xbf16>
    %dot_general3A = arith.constant dense<0.000000e+00> : vector<2048x64xf32>
    %dot_general3A_8 = tpu.matmul %convert_element_type3A_7, %convert_element_type3A, %dot_general3A {dimension_numbers = #tpu.dot_dimension_numbers<[1], [0], [0], [1], [0, 0, 1, 1], [], []>, transpose_lhs_hint = false} : vector<2048x256xbf16>, vector<256x64xbf16>, vector<2048x64xf32> -> vector<2048x64xf32>
    %get3A_9 = arith.constant 0 : index
    %get3A_10 = arith.constant 0 : index
    %get3A_11 = arith.constant 0 : index
    %get3A_12 = vector.load %arg3[%get3A_9, %get3A_10, %get3A_11] : memref<1x2048x256xf32, #tpu.memory_space<vmem>>, vector<1x2048x256xf32>
    %get3A_13 = vector.shape_cast %get3A_12 : vector<1x2048x256xf32> to vector<2048x256xf32>
    %convert_element_type3A_14 = arith.truncf %get3A_13 : vector<2048x256xf32> to vector<2048x256xbf16>
    %dot_general3A_15 = arith.constant dense<0.000000e+00> : vector<2048x64xf32>
    %dot_general3A_16 = tpu.matmul %convert_element_type3A_14, %convert_element_type3A, %dot_general3A_15 {dimension_numbers = #tpu.dot_dimension_numbers<[1], [0], [0], [1], [0, 0, 1, 1], [], []>, transpose_lhs_hint = false} : vector<2048x256xbf16>, vector<256x64xbf16>, vector<2048x64xf32> -> vector<2048x64xf32>
    %get3A_17 = arith.constant 0 : index
    %get3A_18 = arith.constant 0 : index
    %get3A_19 = arith.constant 0 : index
    %get3A_20 = vector.load %arg4[%get3A_17, %get3A_18, %get3A_19] : memref<1x2048x256xf32, #tpu.memory_space<vmem>>, vector<1x2048x256xf32>
    %get3A_21 = vector.shape_cast %get3A_20 : vector<1x2048x256xf32> to vector<2048x256xf32>
    %convert_element_type3A_22 = arith.truncf %get3A_21 : vector<2048x256xf32> to vector<2048x256xbf16>
    %dot_general3A_23 = arith.constant dense<0.000000e+00> : vector<64x2048xf32>
    %dot_general3A_24 = tpu.matmul %convert_element_type3A, %convert_element_type3A_22, %dot_general3A_23 {dimension_numbers = #tpu.dot_dimension_numbers<[0], [1], [1], [0], [0, 1, 1, 0], [], []>, transpose_lhs_hint = false} : vector<256x64xbf16>, vector<2048x256xbf16>, vector<64x2048xf32> -> vector<64x2048xf32>
    %eq3A = arith.constant 0 : i32
    %eq3A_25 = arith.cmpi eq, %arg1, %eq3A : i32
    %convert_element_type3A_26 = arith.extui %eq3A_25 : i1 to i32
    %cond3A = arith.constant 0 : i32
    %cond3A_27 = arith.cmpi ne, %convert_element_type3A_26, %cond3A : i32
    scf.if %cond3A_27 {
      %get3A_32 = arith.constant 0 : index
      %get3A_33 = arith.constant 0 : index
      %get3A_34 = vector.load %arg6[%get3A_32, %get3A_33] : memref<1x64xf32, #tpu.memory_space<vmem>>, vector<1x64xf32>
      %add3A = vector.broadcast %get3A_34 : vector<1x64xf32> to vector<2048x64xf32>
      %add3A_35 = arith.addf %dot_general3A_8, %add3A : vector<2048x64xf32>
      %swap3A = arith.constant 0 : index
      %swap3A_36 = arith.constant 0 : index
      %swap3A_37 = arith.constant 0 : index
      %swap3A_38 = vector.load %arg8[%swap3A, %swap3A_36, %swap3A_37] : memref<1x2048x64xf32, #tpu.memory_space<vmem>>, vector<1x2048x64xf32>
      %swap3A_39 = vector.shape_cast %swap3A_38 : vector<1x2048x64xf32> to vector<2048x64xf32>
      %swap3A_40 = vector.shape_cast %add3A_35 : vector<2048x64xf32> to vector<1x2048x64xf32>
      tpu.vector_store %arg8[%swap3A, %swap3A_36, %swap3A_37], %swap3A_40 {strides = array<i32>} : memref<1x2048x64xf32, #tpu.memory_space<vmem>>, vector<1x2048x64xf32>,
      %get3A_41 = arith.constant 0 : index
      %get3A_42 = arith.constant 0 : index
      %get3A_43 = vector.load %arg6[%get3A_41, %get3A_42] : memref<1x64xf32, #tpu.memory_space<vmem>>, vector<1x64xf32>
      %add3A_44 = vector.broadcast %get3A_43 : vector<1x64xf32> to vector<2048x64xf32>
      %add3A_45 = arith.addf %dot_general3A_16, %add3A_44 : vector<2048x64xf32>
      %swap3A_46 = arith.constant 0 : index
      %swap3A_47 = arith.constant 0 : index
      %swap3A_48 = arith.constant 0 : index
      %swap3A_49 = vector.load %arg9[%swap3A_46, %swap3A_47, %swap3A_48] : memref<1x2048x64xf32, #tpu.memory_space<vmem>>, vector<1x2048x64xf32>
      %swap3A_50 = vector.shape_cast %swap3A_49 : vector<1x2048x64xf32> to vector<2048x64xf32>
      %swap3A_51 = vector.shape_cast %add3A_45 : vector<2048x64xf32> to vector<1x2048x64xf32>
      tpu.vector_store %arg9[%swap3A_46, %swap3A_47, %swap3A_48], %swap3A_51 {strides = array<i32>} : memref<1x2048x64xf32, #tpu.memory_space<vmem>>, vector<1x2048x64xf32>,
      %get3A_52 = arith.constant 0 : index
      %get3A_53 = arith.constant 0 : index
      %get3A_54 = vector.load %arg7[%get3A_52, %get3A_53] : memref<64x1xf32, #tpu.memory_space<vmem>>, vector<64x1xf32>
      %add3A_55 = vector.broadcast %get3A_54 : vector<64x1xf32> to vector<64x2048xf32>
      %add3A_56 = arith.addf %dot_general3A_24, %add3A_55 : vector<64x2048xf32>
      %swap3A_57 = arith.constant 0 : index
      %swap3A_58 = arith.constant 0 : index
      %swap3A_59 = arith.constant 0 : index
      %swap3A_60 = vector.load %arg10[%swap3A_57, %swap3A_58, %swap3A_59] : memref<1x64x2048xf32, #tpu.memory_space<vmem>>, vector<1x64x2048xf32>
      %swap3A_61 = vector.shape_cast %swap3A_60 : vector<1x64x2048xf32> to vector<64x2048xf32>
      %swap3A_62 = vector.shape_cast %add3A_56 : vector<64x2048xf32> to vector<1x64x2048xf32>
      tpu.vector_store %arg10[%swap3A_57, %swap3A_58, %swap3A_59], %swap3A_62 {strides = array<i32>} : memref<1x64x2048xf32, #tpu.memory_space<vmem>>, vector<1x64x2048xf32>,
    } else {
    }
    %ne3A = arith.constant 0 : i32
    %ne3A_28 = arith.cmpi ne, %arg1, %ne3A : i32
    %convert_element_type3A_29 = arith.extui %ne3A_28 : i1 to i32
    %cond3A_30 = arith.constant 0 : i32
    %cond3A_31 = arith.cmpi ne, %convert_element_type3A_29, %cond3A_30 : i32
    scf.if %cond3A_31 {
      %get3A_32 = arith.constant 0 : index
      %get3A_33 = arith.constant 0 : index
      %get3A_34 = arith.constant 0 : index
      %get3A_35 = vector.load %arg8[%get3A_32, %get3A_33, %get3A_34] : memref<1x2048x64xf32, #tpu.memory_space<vmem>>, vector<1x2048x64xf32>
      %get3A_36 = vector.shape_cast %get3A_35 : vector<1x2048x64xf32> to vector<2048x64xf32>
      %add3A = arith.addf %get3A_36, %dot_general3A_8 : vector<2048x64xf32>
      %swap3A = arith.constant 0 : index
      %swap3A_37 = arith.constant 0 : index
      %swap3A_38 = arith.constant 0 : index
      %swap3A_39 = vector.load %arg8[%swap3A, %swap3A_37, %swap3A_38] : memref<1x2048x64xf32, #tpu.memory_space<vmem>>, vector<1x2048x64xf32>
      %swap3A_40 = vector.shape_cast %swap3A_39 : vector<1x2048x64xf32> to vector<2048x64xf32>
      %swap3A_41 = vector.shape_cast %add3A : vector<2048x64xf32> to vector<1x2048x64xf32>
      tpu.vector_store %arg8[%swap3A, %swap3A_37, %swap3A_38], %swap3A_41 {strides = array<i32>} : memref<1x2048x64xf32, #tpu.memory_space<vmem>>, vector<1x2048x64xf32>,
      %get3A_42 = arith.constant 0 : index
      %get3A_43 = arith.constant 0 : index
      %get3A_44 = arith.constant 0 : index
      %get3A_45 = vector.load %arg9[%get3A_42, %get3A_43, %get3A_44] : memref<1x2048x64xf32, #tpu.memory_space<vmem>>, vector<1x2048x64xf32>
      %get3A_46 = vector.shape_cast %get3A_45 : vector<1x2048x64xf32> to vector<2048x64xf32>
      %add3A_47 = arith.addf %get3A_46, %dot_general3A_16 : vector<2048x64xf32>
      %swap3A_48 = arith.constant 0 : index
      %swap3A_49 = arith.constant 0 : index
      %swap3A_50 = arith.constant 0 : index
      %swap3A_51 = vector.load %arg9[%swap3A_48, %swap3A_49, %swap3A_50] : memref<1x2048x64xf32, #tpu.memory_space<vmem>>, vector<1x2048x64xf32>
      %swap3A_52 = vector.shape_cast %swap3A_51 : vector<1x2048x64xf32> to vector<2048x64xf32>
      %swap3A_53 = vector.shape_cast %add3A_47 : vector<2048x64xf32> to vector<1x2048x64xf32>
      tpu.vector_store %arg9[%swap3A_48, %swap3A_49, %swap3A_50], %swap3A_53 {strides = array<i32>} : memref<1x2048x64xf32, #tpu.memory_space<vmem>>, vector<1x2048x64xf32>,
      %get3A_54 = arith.constant 0 : index
      %get3A_55 = arith.constant 0 : index
      %get3A_56 = arith.constant 0 : index
      %get3A_57 = vector.load %arg10[%get3A_54, %get3A_55, %get3A_56] : memref<1x64x2048xf32, #tpu.memory_space<vmem>>, vector<1x64x2048xf32>
      %get3A_58 = vector.shape_cast %get3A_57 : vector<1x64x2048xf32> to vector<64x2048xf32>
      %add3A_59 = arith.addf %get3A_58, %dot_general3A_24 : vector<64x2048xf32>
      %swap3A_60 = arith.constant 0 : index
      %swap3A_61 = arith.constant 0 : index
      %swap3A_62 = arith.constant 0 : index
      %swap3A_63 = vector.load %arg10[%swap3A_60, %swap3A_61, %swap3A_62] : memref<1x64x2048xf32, #tpu.memory_space<vmem>>, vector<1x64x2048xf32>
      %swap3A_64 = vector.shape_cast %swap3A_63 : vector<1x64x2048xf32> to vector<64x2048xf32>
      %swap3A_65 = vector.shape_cast %add3A_59 : vector<64x2048xf32> to vector<1x64x2048xf32>
      tpu.vector_store %arg10[%swap3A_60, %swap3A_61, %swap3A_62], %swap3A_65 {strides = array<i32>} : memref<1x64x2048xf32, #tpu.memory_space<vmem>>, vector<1x64x2048xf32>,
    } else {
    }
    return
  }
  func.func @transform_0(%arg0: i32, %arg1: i32) -> (i32, i32, i32) {
    %c0_i32 = arith.constant 0 : i32
    %c0_i32_0 = arith.constant 0 : i32
    return %arg0, %c0_i32, %arg1 : i32, i32, i32
  }
  func.func @transform_1(%arg0: i32, %arg1: i32) -> (i32, i32, i32) {
    %c0_i32 = arith.constant 0 : i32
    %c0_i32_0 = arith.constant 0 : i32
    return %arg0, %c0_i32, %arg1 : i32, i32, i32
  }
  func.func @transform_2(%arg0: i32, %arg1: i32) -> (i32, i32, i32) {
    %c0_i32 = arith.constant 0 : i32
    %c0_i32_0 = arith.constant 0 : i32
    return %arg0, %c0_i32, %arg1 : i32, i32, i32
  }
  func.func @transform_3(%arg0: i32, %arg1: i32) -> (i32, i32) {
    %c0_i32 = arith.constant 0 : i32
    %c0_i32_0 = arith.constant 0 : i32
    return %arg1, %c0_i32 : i32, i32
  }
  func.func @transform_4(%arg0: i32, %arg1: i32) -> (i32, i32) {
    %c0_i32 = arith.constant 0 : i32
    %c0_i32_0 = arith.constant 0 : i32
    %c0_i32_1 = arith.constant 0 : i32
    return %c0_i32, %c0_i32_0 : i32, i32
  }
  func.func @transform_5(%arg0: i32, %arg1: i32) -> (i32, i32) {
    %c0_i32 = arith.constant 0 : i32
    %c0_i32_0 = arith.constant 0 : i32
    %c0_i32_1 = arith.constant 0 : i32
    return %c0_i32, %c0_i32_0 : i32, i32
  }
  func.func @transform_6(%arg0: i32, %arg1: i32) -> (i32, i32, i32) {
    %c0_i32 = arith.constant 0 : i32
    %c0_i32_0 = arith.constant 0 : i32
    %c0_i32_1 = arith.constant 0 : i32
    return %arg0, %c0_i32, %c0_i32_0 : i32, i32, i32
  }
  func.func @transform_7(%arg0: i32, %arg1: i32) -> (i32, i32, i32) {
    %c0_i32 = arith.constant 0 : i32
    %c0_i32_0 = arith.constant 0 : i32
    %c0_i32_1 = arith.constant 0 : i32
    return %arg0, %c0_i32, %c0_i32_0 : i32, i32, i32
  }
  func.func @transform_8(%arg0: i32, %arg1: i32) -> (i32, i32, i32) {
    %c0_i32 = arith.constant 0 : i32
    %c0_i32_0 = arith.constant 0 : i32
    %c0_i32_1 = arith.constant 0 : i32
    return %arg0, %c0_i32, %c0_i32_0 : i32, i32, i32
  }
}

module attributes {stable_mosaic.version = 14 : i64} {
  func.func @_tile_kernel(%arg0: i32, %arg1: memref<1x64x2048xf32, #tpu.memory_space<vmem>>, %arg2: memref<1x2048x1024xf32, #tpu.memory_space<vmem>>) attributes {dimension_semantics = [#tpu.dimension_semantics<arbitrary>], iteration_bounds = array<i64: 4>, scalar_prefetch = 0 : i64, scratch_operands = 0 : i64, tpu.core_type = #tpu.core_type<tc>, window_params = [{transform_indices = @transform_0, window_bounds = array<i64: 1, 64, 2048>}, {transform_indices = @transform_1, window_bounds = array<i64: 1, 2048, 1024>}]} {
    %get3A = arith.constant 0 : index
    %get3A_0 = arith.constant 0 : index
    %get3A_1 = arith.constant 0 : index
    %get3A_2 = vector.load %arg1[%get3A, %get3A_0, %get3A_1] : memref<1x64x2048xf32, #tpu.memory_space<vmem>>, vector<1x64x2048xf32>
    %get3A_3 = vector.shape_cast %get3A_2 : vector<1x64x2048xf32> to vector<64x2048xf32>
    %iota3A = tpu.iota {dimensions = array<i32: 0>} : vector<64x64xi32>
    %iota3A_4 = tpu.iota {dimensions = array<i32: 1>} : vector<64x64xi32>
    %add3A = arith.constant 0 : i32
    %add3A_5 = vector.broadcast %add3A : i32 to vector<64x64xi32>
    %add3A_6 = arith.addi %iota3A, %add3A_5 : vector<64x64xi32>
    %eq3A = arith.cmpi eq, %add3A_6, %iota3A_4 : vector<64x64xi32>
    %convert_element_type3A = arith.extui %eq3A : vector<64x64xi1> to vector<64x64xi32>
    %convert_element_type3A_7 = arith.sitofp %convert_element_type3A : vector<64x64xi32> to vector<64x64xf32>
    %dot_general3A = arith.constant dense<0.000000e+00> : vector<2048x64xf32>
    %dot_general3A_8 = tpu.matmul %get3A_3, %convert_element_type3A_7, %dot_general3A {dimension_numbers = #tpu.dot_dimension_numbers<[0], [0], [1], [1], [0, 1, 1, 1], [], []>, precision = #tpu.contract_precision<fp32>, transpose_lhs_hint = false} : vector<64x2048xf32>, vector<64x64xf32>, vector<2048x64xf32> -> vector<2048x64xf32>
    %concatenate3A = tpu.concatenate %dot_general3A_8, %dot_general3A_8, %dot_general3A_8, %dot_general3A_8, %dot_general3A_8, %dot_general3A_8, %dot_general3A_8, %dot_general3A_8, %dot_general3A_8, %dot_general3A_8, %dot_general3A_8, %dot_general3A_8, %dot_general3A_8, %dot_general3A_8, %dot_general3A_8, %dot_general3A_8 in 1 : vector<2048x64xf32>, vector<2048x64xf32>, vector<2048x64xf32>, vector<2048x64xf32>, vector<2048x64xf32>, vector<2048x64xf32>, vector<2048x64xf32>, vector<2048x64xf32>, vector<2048x64xf32>, vector<2048x64xf32>, vector<2048x64xf32>, vector<2048x64xf32>, vector<2048x64xf32>, vector<2048x64xf32>, vector<2048x64xf32>, vector<2048x64xf32> -> vector<2048x1024xf32>
    %swap3A = arith.constant 0 : index
    %swap3A_9 = arith.constant 0 : index
    %swap3A_10 = arith.constant 0 : index
    %swap3A_11 = vector.load %arg2[%swap3A, %swap3A_9, %swap3A_10] : memref<1x2048x1024xf32, #tpu.memory_space<vmem>>, vector<1x2048x1024xf32>
    %swap3A_12 = vector.shape_cast %swap3A_11 : vector<1x2048x1024xf32> to vector<2048x1024xf32>
    %swap3A_13 = vector.shape_cast %concatenate3A : vector<2048x1024xf32> to vector<1x2048x1024xf32>
    tpu.vector_store %arg2[%swap3A, %swap3A_9, %swap3A_10], %swap3A_13 {strides = array<i32>} : memref<1x2048x1024xf32, #tpu.memory_space<vmem>>, vector<1x2048x1024xf32>,
    return
  }
  func.func @transform_0(%arg0: i32) -> (i32, i32, i32) {
    %c0_i32 = arith.constant 0 : i32
    %c0_i32_0 = arith.constant 0 : i32
    %c0_i32_1 = arith.constant 0 : i32
    return %arg0, %c0_i32, %c0_i32_0 : i32, i32, i32
  }
  func.func @transform_1(%arg0: i32) -> (i32, i32, i32) {
    %c0_i32 = arith.constant 0 : i32
    %c0_i32_0 = arith.constant 0 : i32
    %c0_i32_1 = arith.constant 0 : i32
    return %arg0, %c0_i32, %c0_i32_0 : i32, i32, i32
  }
}

</mosaic_0001>

<sc_bundles>
// kernel: kernel.8.cloned.1.call-start
scs
__scs_entry_jumppad:
0x0: {  	(pc) =	sbr.rel $0x88, $3  }
0x1: {  	(tag) =	ssettag $0x0;
	lr =	simm.s32 $0x1  }
0x2: {  	[smem:$0x3F9C] =	sst lr;
	_ =	strace $0xD0000000  }
0x3: {  	_ = 	snop  }
0x4: {  	_ = 	snop  }
0x5: {  	_ = 	snop  }
0x6: {  	_ = 	snop  }
0x7: {  	_ = 	snop  }
__scs_overlays_trampoline_lowered:
0x8: {  	[smem:$0x3FAB] =	sst s0  }
0x9: {  	[smem:$0x3FAC] =	sst s1  }
0xa: {  	[smem:$0x3FAD] =	sst s2  }
0xb: {  	[smem:$0x3FAE] =	sst s3  }
0xc: {  	[smem:$0x3FAF] =	sst s4  }
0xd: {  	[smem:$0x3FB0] =	sst s5  }
0xe: {  	[smem:$0x3FB1] =	sst s6  }
0xf: {  	[smem:$0x3FB2] =	sst s7  }
0x10: {  	[smem:$0x3FB3] =	sst s8  }
0x11: {  	[smem:$0x3FB4] =	sst s9;
	s0 =	simm.s32 @!p0 $0x0  }
0x12: {  	s1 =	sld [smem:$0x3F9A];
	s0 =	simm.s32 @p0 $0x1  }
0x13: {  	[smem:$0x3FB5] =	sst s0;
	s0 =	simm.s32 @!p1 $0x0  }
0x14: {  	s2 =	sld [smem:$0x3F99];
	s0 =	simm.s32 @p1 $0x1  }
0x15: {  	[smem:$0x3FB6] =	sst s0;
	s0 =	simm.s32 @!p2 $0x0  }
0x16: {  	s3 =	sld [smem:$0x3FDB];
	s0 =	simm.s32 @p2 $0x1  }
0x17: {  	s4 =	simm.s32 $0x1BF5;
	[smem:$0x3FB8] =	sst s0  }
0x18: {  	s0 =	sld [smem:$0x3F9B];
	_ =	swait.ge [sflag:s4], $0x0  }
0x19: {  	s7 =	sld [smem:$0x3F9C]  }
0x1a: {  	s8 =	sadd.s32 $0xFFFFE003, lr  }
0x1b: {  	s9 =	sadd.s32 $0xFFFFFEF7, lr;
	s5 =	simm.s32 $0xFFFFFFFF;
	p2 =	slt.u32 s8, $0xFFFFF086  }
0x1c: {  	p1 =	slt.u32 s9, $0xF7A;
	s5 =	simm.s32 @!p2 $0x0  }
0x1d: {  	s5 =	simm.s32 @p1 $0x1;
	p0 =	seq.s32 s7, s2  }
0x1e: {  	s7 =	smul.u32 @!p0 $0xF7A, s2;
	p2 =	seq.s32 @!p0 s5, $0x0  }
0x1f: {  	s9 =	smul.u32 $0xF7A, s1;
	s8 =	simm.s32 @!p0 $0x1BF5;
	p2 =	por !p2, p0  }
0x20: {  	[sflag:s8] =	ssyncset.s32 @!p0 $0xFFFFF086;
	s6 =	sadd.s32 @!p0 s3, s7;
	s7 =	simm.s32 @!p0 $0x108  }
0x21: {  	s3 =	sadd.s32 s3, s9;
	s6 =	sadd.s32 @!p0 $0x88, s6;
	s7 =	simm.s32 @p2 $0x1082  }
0x22: {  	[simem:s7], [sflag:s8] =	dma.local @!p0 [hbm:s6], $0xF7A  }
0x23: {  	s9 =	sor.u32 $0xD0000000, s2;
	s6 =	simm.s32 $0x108;
	_ =	swait.ge @!p0 [sflag:s8], $0x0  }
0x24: {  	s3 =	sadd.s32 $0x88, s3;
	s6 =	simm.s32 @!p1 $0x1082;
	[sflag:s4] =	ssyncset.s32 $0xFFFFF086  }
0x25: {  	[simem:s6], [sflag:s4] =	dma.local [hbm:s3], $0xF7A  }
0x26: {  	[smem:$0x3F9C] =	sst s1;
	(tag) =	ssettag s2;
	_ =	strace s9  }
0x27: {  	s1 =	sld [smem:$0x3FAC]  }
0x28: {  	s2 =	sld [smem:$0x3FAD]  }
0x29: {  	s4 =	sld [smem:$0x3FAF]  }
0x2a: {  	p0 =	seq.s32 s5, $0x0;
	s5 =	sld [smem:$0x3FB0]  }
0x2b: {  	s6 =	sld [smem:$0x3FB1]  }
0x2c: {  	s7 =	sld [smem:$0x3FB2]  }
0x2d: {  	s3 =	simm.s32 $0x108;
	s8 =	sld [smem:$0x3FB3]  }
0x2e: {  	s3 =	simm.s32 @!p0 $0x1082;
	s9 =	sld [smem:$0x3FB4]  }
0x2f: {  	lr =	sadd.s32 s0, s3;
	s0 =	sld [smem:$0x3FAB]  }
0x30: {  	s3 =	sld [smem:$0x3FAE]  }
0x31: {  	[smem:$0x3FB7] =	sst s10  }
0x32: {  	s10 =	sld [smem:$0x3FB5];
	_ =	sdelay $0x3  }
0x33: {  	p0 =	seq.s32 s10, $0x1;
	s10 =	sld [smem:$0x3FB7];
	_ =	sdelay $0x3  }
0x34: {  	[smem:$0x3FB7] =	sst s10  }
0x35: {  	s10 =	sld [smem:$0x3FB6];
	_ =	sdelay $0x3  }
0x36: {  	p1 =	seq.s32 s10, $0x1;
	s10 =	sld [smem:$0x3FB7];
	_ =	sdelay $0x3  }
0x37: {  	[smem:$0x3FB7] =	sst s10  }
0x38: {  	s10 =	sld [smem:$0x3FB8]  }
0x39: {  	_ = 	snop;
	(pc) =	sbr.ind lr, $3  }
0x3a: {  	_ = 	snop  }
0x3b: {  	_ = 	snop  }
0x3c: {  	p2 =	seq.s32 s10, $0x1;
	s10 =	sld [smem:$0x3FB7]  }
0x3d: {  	_ =	shalt  }
0x3e: {  	_ =	shalt  }
0x3f: {  	_ =	shalt  }
0x40: {  	_ =	shalt  }
0x41: {  	_ =	shalt  }
0x42: {  	_ =	shalt  }
0x43: {  	_ =	shalt  }
0x44: {  	_ =	shalt  }
0x45: {  	_ =	shalt  }
0x46: {  	_ =	shalt  }
0x47: {  	_ =	shalt  }
0x48: {  	_ =	shalt  }
0x49: {  	_ =	shalt  }
0x4a: {  	_ =	shalt  }
0x4b: {  	_ =	shalt  }
0x4c: {  	_ =	shalt  }
0x4d: {  	_ =	shalt  }
0x4e: {  	_ =	shalt  }
0x4f: {  	_ =	shalt  }
0x50: {  	_ =	shalt  }
0x51: {  	_ =	shalt  }
0x52: {  	_ =	shalt  }
0x53: {  	_ =	shalt  }
0x54: {  	_ =	shalt  }
0x55: {  	_ =	shalt  }
0x56: {  	_ =	shalt  }
0x57: {  	_ =	shalt  }
0x58: {  	_ =	shalt  }
0x59: {  	_ =	shalt  }
0x5a: {  	_ =	shalt  }
0x5b: {  	_ =	shalt  }
0x5c: {  	_ =	shalt  }
0x5d: {  	_ =	shalt  }
0x5e: {  	_ =	shalt  }
0x5f: {  	_ =	shalt  }
0x60: {  	_ =	shalt  }
0x61: {  	_ =	shalt  }
0x62: {  	_ =	shalt  }
0x63: {  	_ =	shalt  }
0x64: {  	_ =	shalt  }
0x65: {  	_ =	shalt  }
0x66: {  	_ =	shalt  }
0x67: {  	_ =	shalt  }
0x68: {  	_ =	shalt  }
0x69: {  	_ =	shalt  }
0x6a: {  	_ =	shalt  }
0x6b: {  	_ =	shalt  }
0x6c: {  	_ =	shalt  }
0x6d: {  	_ =	shalt  }
0x6e: {  	_ =	shalt  }
0x6f: {  	_ =	shalt  }
0x70: {  	_ =	shalt  }
0x71: {  	_ =	shalt  }
0x72: {  	_ =	shalt  }
0x73: {  	_ =	shalt  }
0x74: {  	_ =	shalt  }
0x75: {  	_ =	shalt  }
0x76: {  	_ =	shalt  }
0x77: {  	_ =	shalt  }
0x78: {  	_ =	shalt  }
0x79: {  	_ =	shalt  }
0x7a: {  	_ =	shalt  }
0x7b: {  	_ =	shalt  }
0x7c: {  	_ =	shalt  }
0x7d: {  	_ =	shalt  }
0x7e: {  	_ =	shalt  }
0x7f: {  	_ =	shalt  }
0x80: {  	_ =	shalt  }
0x81: {  	_ =	shalt  }
0x82: {  	_ =	shalt  }
0x83: {  	_ =	shalt  }
0x84: {  	_ =	shalt  }
0x85: {  	_ =	shalt  }
0x86: {  	_ =	shalt  }
0x87: {  	_ =	shalt  }
.Lfunc_end0:
.L_simem_size_0:
called_computation_lowered:
.L_overlay_start_0:
0x88: {  	s2 =	sld [smem:$0x3FD9]  }
0x89: {  	s3 =	sld [smem:$0x3FFE];
	_ =	sdelay $0x1  }
0x8a: {  	s1 =	srdreg.scid  }
0x8b: {  	s0 =	sand.u32 $0x1, s1  }
0x8c: {  	s17 =	sshll.u32 s0, $0xA;
	s2 =	sadd.s32 s3, s2  }
0x8d: {  	s2 =	sadd.s32 s2, s17  }
0x8e: {  	[smem:$0x3FC3] =	sst s2  }
0x8f: {  	_ = 	snop  }
0x90: {  	s2 =	sld [smem:$0x3FD0];
	(tm) =	ssettm $0x1  }
0x91: {  	s18 =	sld [smem:$0x3FFB];
	_ =	sdelay $0x3  }
0x92: {  	_ =	strace s18  }
0x93: {  	s3 =	sld [smem:$0x3FFC];
	_ =	sdelay $0x3  }
0x94: {  	_ =	strace s3  }
0x95: {  	s3 =	sld [smem:$0x3FFD];
	_ =	sdelay $0x3  }
0x96: {  	_ =	strace s3  }
0x97: {  	_ =	strace $0x8FFFFFFF  }
0x98: {  	s19 =	sld [smem:$0x3FDB];
	_ =	sdelay $0x1  }
0x99: {  	s4 =	simm.s32 $_scs_section_size  }
0x9a: {  	s5 =	simm.s32 $_size__tile_overlayer_lowered;
	s6 =	simm.s32 $_tile_overlayer_lowered  }
0x9b: {  	s22 =	simm.s32 $0x1BFF;
	s21 =	sshll.u32 s6, $0x1;
	s3 =	sadd.s32 s4, s19  }
0x9c: {  	s7 =	simm.s32 $0x0;
	s20 =	sshll.u32 s5, $0x1;
	s5 =	sadd.s32 s21, s3  }
0x9d: {  	[timem:s7], [sflag:s22] =	dma.local [hbm:s5], s20  }
0x9e: {  	_ =	swait.ge [sflag:s22], s20  }
0x9f: {  	s4 =	ssub.s32 $0x0, s20;
	[sflag:s22] =	ssyncset.done $0x0  }
0xa0: {  	[sflag:s22] =	ssyncadd.s32 s4;
	_ =	sdelay $0x1  }
0xa1: {  	s23 =	simm.s32 $0x1B8B  }
0xa2: {  	_ =	swait.ge [sflag:s23], $0x1  }
0xa3: {  	[sflag:s23] =	ssyncset.done $0x0  }
0xa4: {  	s25 =	simm.s32 $0x1B8E;
	s24 =	sld [smem:$0x3FFE];
	[sflag:s23] =	ssyncadd.s32 $0xFFFFFFFF  }
0xa5: {  	s26 =	simm.s32 $execute0_lowered;
	[smem:$0x3FD2] =	sst s25  }
0xa6: {  	s5 =	sshll.u32 s26, $0x1;
	_ =	strace $0x80000046;
	[dreg:$0x1] =	wrdreg $0xFFFFFFFF  }
0xa7: {  	s28 =	simm.s32 $_size_execute0_lowered;
	s3 =	sadd.s32 s3, s5;
	[dreg:$0x0] =	wrdreg $0x0  }
0xa8: {  	s5 =	sshll.u32 s28, $0x1;
	[dreg:$0x2] =	wrdreg s3  }
0xa9: {  	[dreg:$0x3] =	wrdreg s5  }
0xaa: {  	[dreg:$0x4] =	wrdreg $0xC0  }
0xab: {  	_ =	task [dreg:s7], $0x5FFFF  }
0xac: {  	[dreg:$0x1] =	wrdreg $0xFFFFFFFF  }
0xad: {  	[dreg:$0x0] =	wrdreg $0x60  }
0xae: {  	[dreg:$0x2] =	wrdreg s2  }
0xaf: {  	[dreg:$0x3] =	wrdreg s24  }
0xb0: {  	[dreg:$0x4] =	wrdreg $0x9  }
0xb1: {  	_ =	task.clear_ibuf [dreg:s7], $0x5FFFF;
	_ =	strace $0x90000046  }
0xb2: {  	s29 =	simm.s32 $0x9;
	_ =	strace $0x80000048  }
0xb3: {  	_ =	swait.ge [sflag:s29], $0x1  }
0xb4: {  	[sflag:s29] =	ssyncadd.s32 $0xFFFFFFFF  }
0xb5: {  	_ =	strace $0x90000048  }
0xb6: {  	_ =	sfence  }
0xb7: {  	s30 =	sld [smem:$0x0];
	_ =	sdelay $0x2  }
0xb8: {  	s31 =	sshll.u32 s1, $0xD;
	s1 =	sshrl.u32 s1, $0x2  }
0xb9: {  	s3 =	sand.u32 $0x4000, s31;
	s1 =	sadd.s32 s1, s30  }
0xba: {  	s0 =	sor.u32 s3, s0;
	s1 =	sshll.u32 s1, $0x11  }
0xbb: {  	s0 =	sor.u32 s1, s0  }
0xbc: {  	s0 =	sadd.s32 $0x8F2B, s0  }
0xbd: {  	[sflag:s0] =	ssyncadd.remote.s32 $0x1  }
0xbe: {  	_ =	sfence.sel $0xFFFF  }
0xbf: {  	[dreg:$0x0] =	wrdreg $0xFFFFFFFF;
	(pc) =	sbr.abs _section_cstart, $3  }
0xc0: {  	[dreg:$0x1] =	wrdreg $0xFFFFFFFF  }
0xc1: {  	_ =	task.clear_ibuf [dreg:s7], $0x2FFFF;
	_ =	strace $0x9FFFFFFF  }
0xc2: {  	(tm) =	ssettm $0x7FFFFFFF  }
0xc3: {  	_ =	shalt  }
tec
execute0_lowered:
.L_overlay_start_1:
0x0: {  	(tag) =	ssettag $0x1  }
0x1: {  	s1 =	rddreg [dreg:$0x0]  }
0x2: {  	s6 =	rddreg [dreg:$0x1]  }
0x3: {  	s0 =	rddreg [dreg:$0x2];
	s3 =	simm.s32 $0x0  }
0x4: {  	s4 =	srdreg.scid;
	s2 =	stileid.u32;
	s11 =	simm.s32 $0x400  }
0x5: {  	s12 =	simm.s32 $0x1;
	s13 =	simm.s32 $0x1000;
	s14 =	simm.s32 $0x1100  }
0x6: {  	s15 =	simm.s32 $0x800;
	s16 =	simm.s32 $0x0;
	s21 =	simm.s32 $0x0  }
0x7: {  	[smem:$0x7FF] =	sst s3;
	s7 =	sand.u32 $0x1, s4;
	s4 =	sadd.s32 $0x3400, s6  }
0x8: {  	s9 =	sshll.u32 s2, $0x1;
	s5 =	sadd.s32 $0x1400, s6;
	s8 =	ssub.s32 $0x2, s7  }
0x9: {  	s6 =	sadd.s32 $0x5400, s6;
	s9 =	sor.u32 s7, s9;
	s10 =	sshrl.u32 s8, $0x1  }
0xa: {  	_ =	strace $0x80000047;
	s7 =	sshll.u32 s9, $0xE;
	s10 =	ssub.s32 s8, s10  }
0xb: {  	v0 =	vlaneseq.u32;
	s8 =	sshll.u32 s9, $0xB;
	s9 =	smax.u32 s10, $0x1;
	s10 =	simm.s32 $0x80  }
.LBB2_1:
0xc: {  	s17 =	simm.s32 $0x0  }
.LBB2_2:
0xd: {  	s19 =	sshll.u32 s17, $0x7  }
0xe: {  	s18 =	sadd.s32 s7, s19  }
0xf: {  	s18 =	sshrl.u32 s18, $0x3  }
0x10: {  	s20 =	sadd.s32 s1, s18  }
0x11: {  	[tilespmem:s21], [sflag:$0x1] =	stream.strided.gather [hbm4b:s20+s10], $0x800, s11, s10, $0x38;
	[tilespmem:$0x1200] =	vst v63  }
0x12: {  	s19 =	sadd.s32 s8, s19;
	_ =	swait.ge [sflag:s12], $0x800  }
0x13: {  	s19 =	sshrl.u32 s19, $0x3;
	[sflag:s12] =	ssyncset.done $0x0  }
0x14: {  	s29 =	sadd.s32 s4, s19;
	[sflag:s12] =	ssyncadd.s32 $0xFFFFF800  }
0x15: {  	[tilespmem:s13], [sflag:$0x1] =	stream.strided.gather [hbm4b:s29+s10], $0x100, s11, s10, $0x38;
	[tilespmem:$0x1200] =	vst v63  }
0x16: {  	_ =	swait.ge [sflag:s12], $0x100  }
0x17: {  	[sflag:s12] =	ssyncset.done $0x0  }
0x18: {  	s19 =	sadd.s32 s5, s19;
	[sflag:s12] =	ssyncadd.s32 $0xFFFFFF00  }
0x19: {  	[tilespmem:s14], [sflag:$0x1] =	stream.strided.gather [hbm4b:s19+s10], $0x100, s11, s10, $0x38;
	[tilespmem:$0x1200] =	vst v63  }
0x1a: {  	_ =	swait.ge [sflag:s12], $0x100  }
0x1b: {  	[sflag:s12] =	ssyncset.done $0x0  }
0x1c: {  	[sflag:s12] =	ssyncadd.s32 $0xFFFFFF00  }
0x1d: {  	v18 =	vld [tilespmem:$0x1000]  }
0x1e: {  	v15 =	vld [tilespmem:$0x1010]  }
0x1f: {  	v14 =	vld [tilespmem:$0x1020]  }
0x20: {  	v13 =	vld [tilespmem:$0x1030]  }
0x21: {  	v12 =	vld [tilespmem:$0x1040]  }
0x22: {  	v11 =	vld [tilespmem:$0x1050]  }
0x23: {  	v10 =	vld [tilespmem:$0x1060]  }
0x24: {  	v9 =	vld [tilespmem:$0x1070]  }
0x25: {  	v8 =	vld [tilespmem:$0x1080]  }
0x26: {  	v7 =	vld [tilespmem:$0x1090]  }
0x27: {  	v30 =	vor.u32 s21, v0;
	v6 =	vld [tilespmem:$0x10A0]  }
0x28: {  	v5 =	vld [tilespmem:$0x10B0];
	v1 =	vadd.s32 v18, v30  }
0x29: {  	v4 =	vld [tilespmem:$0x10C0];
	v16 =	vand.u32 $0x7FF, v1  }
0x2a: {  	v3 =	vld [tilespmem:$0x10D0];
	v1 =	vadd.s32 v15, v30  }
0x2b: {  	v2 =	vld [tilespmem:$0x10E0];
	v17 =	vand.u32 $0x7FF, v1  }
0x2c: {  	v23 =	vld [tilespmem:$0x1100];
	v19 =	vadd.s32 v14, v30  }
0x2d: {  	v21 =	vld [tilespmem:$0x1110];
	v20 =	vand.u32 $0x7FF, v19  }
0x2e: {  	v22 =	vld.idx.msk [tilespmem:v16+s3+$0x0], $0xffff;
	v16 =	vadd.s32 v13, v30  }
0x2f: {  	v19 =	vld [tilespmem:$0x1120];
	v24 =	vand.u32 $0x7FF, v16  }
0x30: {  	v25 =	vld.idx.msk [tilespmem:v17+s3+$0x0], $0xffff;
	v16 =	vadd.s32 v12, v30  }
0x31: {  	v1 =	vld [tilespmem:$0x10F0];
	v26 =	vand.u32 $0x7FF, v16  }
0x32: {  	v27 =	vld.idx.msk [tilespmem:v20+s3+$0x0], $0xffff;
	v17 =	vadd.s32 v11, v30  }
0x33: {  	v16 =	vld [tilespmem:$0x1130];
	v28 =	vand.u32 $0x7FF, v17;
	v20 =	vmul.f32 v22, v23  }
0x34: {  	v31 =	vadd.s32 v9, v30;
	v22 =	vadd.s32 v10, v30;
	v24 =	vld.idx.msk [tilespmem:v24+s3+$0x0], $0xffff  }
0x35: {  	v17 =	vld [tilespmem:$0x1140];
	v29 =	vand.u32 $0x7FF, v22;
	v25 =	vmul.f32 v25, v21;
	v22 =	vadd.f32 $0.0e+00, v20  }
0x36: {  	v31 =	vand.u32 $0x7FF, v31;
	v26 =	vld.idx.msk [tilespmem:v26+s3+$0x0], $0xffff  }
0x37: {  	v32 =	vadd.s32 v8, v30;
	v27 =	vmul.f32 v27, v19;
	v20 =	vld [tilespmem:$0x1150];
	v25 =	vadd.f32 v25, v22  }
0x38: {  	v32 =	vand.u32 $0x7FF, v32;
	v28 =	vld.idx.msk [tilespmem:v28+s3+$0x0], $0xffff  }
0x39: {  	v33 =	vadd.s32 v7, v30;
	v22 =	vld [tilespmem:$0x1160];
	v25 =	vadd.f32 v27, v25;
	v27 =	vmul.f32 v24, v16  }
0x3a: {  	v33 =	vand.u32 $0x7FF, v33;
	v29 =	vld.idx.msk [tilespmem:v29+s3+$0x0], $0xffff  }
0x3b: {  	v34 =	vadd.s32 v6, v30;
	v31 =	vld.idx.msk [tilespmem:v31+s3+$0x0], $0xffff;
	v26 =	vmul.f32 v26, v17;
	v27 =	vadd.f32 v27, v25  }
0x3c: {  	v34 =	vand.u32 $0x7FF, v34;
	v24 =	vld [tilespmem:$0x1170]  }
0x3d: {  	v35 =	vadd.s32 v5, v30;
	v32 =	vld.idx.msk [tilespmem:v32+s3+$0x0], $0xffff;
	v28 =	vmul.f32 v28, v20;
	v27 =	vadd.f32 v26, v27  }
0x3e: {  	v35 =	vand.u32 $0x7FF, v35;
	v25 =	vld [tilespmem:$0x1180]  }
0x3f: {  	v36 =	vadd.s32 v4, v30;
	v33 =	vld.idx.msk [tilespmem:v33+s3+$0x0], $0xffff;
	v29 =	vmul.f32 v29, v22;
	v28 =	vadd.f32 v28, v27  }
0x40: {  	v36 =	vand.u32 $0x7FF, v36;
	v26 =	vld [tilespmem:$0x1190]  }
0x41: {  	v37 =	vadd.s32 v3, v30;
	v34 =	vld.idx.msk [tilespmem:v34+s3+$0x0], $0xffff;
	v31 =	vmul.f32 v31, v24;
	v29 =	vadd.f32 v29, v28  }
0x42: {  	v37 =	vand.u32 $0x7FF, v37;
	v27 =	vld [tilespmem:$0x11A0]  }
0x43: {  	v38 =	vadd.s32 v2, v30;
	v35 =	vld.idx.msk [tilespmem:v35+s3+$0x0], $0xffff;
	v32 =	vmul.f32 v32, v25;
	v31 =	vadd.f32 v31, v29  }
0x44: {  	v38 =	vand.u32 $0x7FF, v38;
	v28 =	vld [tilespmem:$0x11B0]  }
0x45: {  	v45 =	vld.idx.msk [tilespmem:v36+s3+$0x0], $0xffff;
	v46 =	vadd.s32 v1, v30;
	v44 =	vmul.f32 v33, v26;
	v31 =	vadd.f32 v32, v31  }
0x46: {  	v36 =	vand.u32 $0x7FF, v46;
	v29 =	vld [tilespmem:$0x11C0]  }
0x47: {  	v37 =	vld.idx.msk [tilespmem:v37+s3+$0x0], $0xffff;
	v34 =	vmul.f32 v34, v27;
	v32 =	vadd.f32 v44, v31  }
0x48: {  	v30 =	vld [tilespmem:$0x11D0]  }
0x49: {  	v38 =	vld.idx.msk [tilespmem:v38+s3+$0x0], $0xffff;
	v35 =	vmul.f32 v35, v28;
	v34 =	vadd.f32 v34, v32  }
0x4a: {  	v31 =	vld [tilespmem:$0x11E0]  }
0x4b: {  	v47 =	vld.idx.msk [tilespmem:v36+s3+$0x0], $0xffff;
	v33 =	vmul.f32 v45, v29;
	v34 =	vadd.f32 v35, v34  }
0x4c: {  	v32 =	vld [tilespmem:$0x11F0]  }
0x4d: {  	v48 =	vmul.f32 v37, v30;
	v33 =	vadd.f32 v33, v34  }
0x4e: {  	s30 =	simm.s32 $0x10  }
0x4f: {  	v36 =	vor.u32 s30, v0;
	v49 =	vmul.f32 v38, v31;
	v33 =	vadd.f32 v48, v33  }
0x50: {  	v50 =	vadd.s32 v18, v36  }
0x51: {  	v37 =	vand.u32 $0x7FF, v50;
	v51 =	vmul.f32 v47, v32;
	v33 =	vadd.f32 v49, v33  }
0x52: {  	v52 =	vadd.s32 v15, v36  }
0x53: {  	v35 =	vand.u32 $0x7FF, v52;
	v33 =	vadd.f32 v51, v33  }
0x54: {  	s19 =	simm.s32 $0x800;
	v53 =	vadd.s32 v14, v36  }
0x55: {  	v34 =	vand.u32 $0x7FF, v53;
	[tilespmem:s19+$0x0] =	vst v33  }
0x56: {  	v54 =	vadd.s32 v13, v36;
	v33 =	vld.idx.msk [tilespmem:v37+s3+$0x0], $0xffff  }
0x57: {  	v37 =	vand.u32 $0x7FF, v54  }
0x58: {  	v55 =	vadd.s32 v12, v36;
	v35 =	vld.idx.msk [tilespmem:v35+s3+$0x0], $0xffff  }
0x59: {  	v38 =	vand.u32 $0x7FF, v55  }
0x5a: {  	v39 =	vadd.s32 v11, v36;
	v34 =	vld.idx.msk [tilespmem:v34+s3+$0x0], $0xffff  }
0x5b: {  	v39 =	vand.u32 $0x7FF, v39;
	v33 =	vmul.f32 v33, v23  }
0x5c: {  	v40 =	vadd.s32 v10, v36;
	v37 =	vld.idx.msk [tilespmem:v37+s3+$0x0], $0xffff  }
0x5d: {  	v40 =	vand.u32 $0x7FF, v40;
	v35 =	vmul.f32 v35, v21;
	v33 =	vadd.f32 $0.0e+00, v33  }
0x5e: {  	v41 =	vadd.s32 v9, v36;
	v38 =	vld.idx.msk [tilespmem:v38+s3+$0x0], $0xffff  }
0x5f: {  	v41 =	vand.u32 $0x7FF, v41;
	v34 =	vmul.f32 v34, v19;
	v33 =	vadd.f32 v35, v33  }
0x60: {  	v57 =	vadd.s32 v8, v36;
	v56 =	vld.idx.msk [tilespmem:v39+s3+$0x0], $0xffff  }
0x61: {  	v39 =	vand.u32 $0x7FF, v57;
	v58 =	vmul.f32 v37, v16;
	v33 =	vadd.f32 v34, v33  }
0x62: {  	v60 =	vadd.s32 v7, v36;
	v59 =	vld.idx.msk [tilespmem:v40+s3+$0x0], $0xffff  }
0x63: {  	v40 =	vand.u32 $0x7FF, v60;
	v61 =	vmul.f32 v38, v17;
	v33 =	vadd.f32 v58, v33  }
0x64: {  	v63 =	vadd.s32 v6, v36;
	v62 =	vld.idx.msk [tilespmem:v41+s3+$0x0], $0xffff  }
0x65: {  	v41 =	vand.u32 $0x7FF, v63;
	v44 =	vmul.f32 v56, v20;
	v33 =	vadd.f32 v61, v33  }
0x66: {  	v46 =	vadd.s32 v5, v36;
	v45 =	vld.idx.msk [tilespmem:v39+s3+$0x0], $0xffff  }
0x67: {  	v39 =	vand.u32 $0x7FF, v46;
	v47 =	vmul.f32 v59, v22;
	v33 =	vadd.f32 v44, v33  }
0x68: {  	v49 =	vadd.s32 v4, v36;
	v48 =	vld.idx.msk [tilespmem:v40+s3+$0x0], $0xffff  }
0x69: {  	v40 =	vand.u32 $0x7FF, v49;
	v50 =	vmul.f32 v62, v24;
	v33 =	vadd.f32 v47, v33  }
0x6a: {  	v52 =	vadd.s32 v3, v36;
	v51 =	vld.idx.msk [tilespmem:v41+s3+$0x0], $0xffff  }
0x6b: {  	v41 =	vand.u32 $0x7FF, v52;
	v53 =	vmul.f32 v45, v25;
	v33 =	vadd.f32 v50, v33  }
0x6c: {  	v55 =	vadd.s32 v2, v36;
	v54 =	vld.idx.msk [tilespmem:v39+s3+$0x0], $0xffff  }
0x6d: {  	v39 =	vand.u32 $0x7FF, v55;
	v56 =	vmul.f32 v48, v26;
	v33 =	vadd.f32 v53, v33  }
0x6e: {  	v36 =	vadd.s32 v1, v36;
	v57 =	vld.idx.msk [tilespmem:v40+s3+$0x0], $0xffff  }
0x6f: {  	v58 =	vmul.f32 v51, v27;
	v61 =	vand.u32 $0x7FF, v36;
	v33 =	vadd.f32 v56, v33  }
0x70: {  	v59 =	vld.idx.msk [tilespmem:v41+s3+$0x0], $0xffff  }
0x71: {  	v60 =	vmul.f32 v54, v28;
	v33 =	vadd.f32 v58, v33  }
0x72: {  	v62 =	vld.idx.msk [tilespmem:v39+s3+$0x0], $0xffff  }
0x73: {  	v63 =	vmul.f32 v57, v29;
	v33 =	vadd.f32 v60, v33  }
0x74: {  	v34 =	vld.idx.msk [tilespmem:v61+s3+$0x0], $0xffff  }
0x75: {  	v38 =	vmul.f32 v59, v30;
	v37 =	vadd.f32 v63, v33  }
0x76: {  	s31 =	simm.s32 $0x20  }
0x77: {  	s20 =	simm.s32 $0x30;
	v36 =	vmul.f32 v62, v31;
	v33 =	vor.u32 s31, v0;
	v35 =	vadd.f32 v38, v37  }
.LBB2_3:
0x78: {  	p0 =	sne.s32 s20, $0x7F0;
	v37 =	vadd.s32 v18, v33  }
0x79: {  	v34 =	vmul.f32 v34, v32;
	v37 =	vand.u32 $0x7FF, v37;
	v35 =	vadd.f32 v36, v35  }
0x7a: {  	v36 =	vadd.s32 v15, v33  }
0x7b: {  	v36 =	vand.u32 $0x7FF, v36;
	v34 =	vadd.f32 v34, v35  }
0x7c: {  	s19 =	sadd.s32 $0x10, s19;
	v35 =	vadd.s32 v14, v33  }
0x7d: {  	v35 =	vand.u32 $0x7FF, v35;
	[tilespmem:s19+$0x0] =	vst v34  }
0x7e: {  	v34 =	vld.idx.msk [tilespmem:v37+s3+$0x0], $0xffff;
	v37 =	vadd.s32 v13, v33  }
0x7f: {  	v37 =	vand.u32 $0x7FF, v37  }
0x80: {  	v38 =	vadd.s32 v12, v33;
	v36 =	vld.idx.msk [tilespmem:v36+s3+$0x0], $0xffff  }
0x81: {  	v38 =	vand.u32 $0x7FF, v38  }
0x82: {  	v39 =	vadd.s32 v11, v33;
	v35 =	vld.idx.msk [tilespmem:v35+s3+$0x0], $0xffff  }
0x83: {  	v39 =	vand.u32 $0x7FF, v39  }
0x84: {  	v40 =	vadd.s32 v10, v33;
	v34 =	vmul.f32 v34, v23;
	v37 =	vld.idx.msk [tilespmem:v37+s3+$0x0], $0xffff  }
0x85: {  	v40 =	vand.u32 $0x7FF, v40  }
0x86: {  	v41 =	vadd.s32 v9, v33;
	v34 =	vadd.f32 $0.0e+00, v34;
	v36 =	vmul.f32 v36, v21;
	v38 =	vld.idx.msk [tilespmem:v38+s3+$0x0], $0xffff  }
0x87: {  	v41 =	vand.u32 $0x7FF, v41  }
0x88: {  	v34 =	vadd.f32 v36, v34;
	v35 =	vmul.f32 v35, v19;
	v36 =	vld.idx.msk [tilespmem:v39+s3+$0x0], $0xffff;
	v39 =	vadd.s32 v8, v33  }
0x89: {  	v39 =	vand.u32 $0x7FF, v39  }
0x8a: {  	v34 =	vadd.f32 v35, v34;
	v35 =	vmul.f32 v37, v16;
	v37 =	vld.idx.msk [tilespmem:v40+s3+$0x0], $0xffff;
	v40 =	vadd.s32 v7, v33  }
0x8b: {  	v40 =	vand.u32 $0x7FF, v40  }
0x8c: {  	v34 =	vadd.f32 v35, v34;
	v35 =	vmul.f32 v38, v17;
	v38 =	vld.idx.msk [tilespmem:v41+s3+$0x0], $0xffff;
	v41 =	vadd.s32 v6, v33  }
0x8d: {  	v41 =	vand.u32 $0x7FF, v41  }
0x8e: {  	v34 =	vadd.f32 v35, v34;
	v35 =	vmul.f32 v36, v20;
	v36 =	vld.idx.msk [tilespmem:v39+s3+$0x0], $0xffff;
	v39 =	vadd.s32 v5, v33  }
0x8f: {  	v39 =	vand.u32 $0x7FF, v39  }
0x90: {  	v34 =	vadd.f32 v35, v34;
	v35 =	vmul.f32 v37, v22;
	v37 =	vld.idx.msk [tilespmem:v40+s3+$0x0], $0xffff;
	v40 =	vadd.s32 v4, v33  }
0x91: {  	v40 =	vand.u32 $0x7FF, v40  }
0x92: {  	v34 =	vadd.f32 v35, v34;
	v35 =	vmul.f32 v38, v24;
	v38 =	vld.idx.msk [tilespmem:v41+s3+$0x0], $0xffff;
	v41 =	vadd.s32 v3, v33  }
0x93: {  	v41 =	vand.u32 $0x7FF, v41  }
0x94: {  	v34 =	vadd.f32 v35, v34;
	v35 =	vmul.f32 v36, v25;
	v36 =	vld.idx.msk [tilespmem:v39+s3+$0x0], $0xffff;
	v39 =	vadd.s32 v2, v33  }
0x95: {  	v39 =	vand.u32 $0x7FF, v39  }
0x96: {  	v33 =	vadd.s32 v1, v33;
	v34 =	vadd.f32 v35, v34;
	v35 =	vmul.f32 v37, v26;
	v37 =	vld.idx.msk [tilespmem:v40+s3+$0x0], $0xffff  }
0x97: {  	v33 =	vand.u32 $0x7FF, v33  }
0x98: {  	v34 =	vadd.f32 v35, v34;
	v35 =	vmul.f32 v38, v27;
	v38 =	vld.idx.msk [tilespmem:v41+s3+$0x0], $0xffff;
	_ =	sdelay $0x1  }
0x99: {  	v34 =	vadd.f32 v35, v34;
	v35 =	vmul.f32 v36, v28;
	v36 =	vld.idx.msk [tilespmem:v39+s3+$0x0], $0xffff;
	_ =	sdelay $0x1  }
.Ltmp0:
0x9a: {  	v35 =	vadd.f32 v35, v34;
	v37 =	vmul.f32 v37, v29;
	v34 =	vld.idx.msk [tilespmem:v33+s3+$0x0], $0xffff;
	(pc) =	sbr.rel @p0 .LBB2_3-.Ltmp0, $3  }
0x9b: {  	_ = 	snop  }
0x9c: {  	v35 =	vadd.f32 v37, v35;
	v37 =	vmul.f32 v38, v30;
	_ =	sdelay $0x1  }
0x9d: {  	v33 =	vor.u32 s20, v0;
	s20 =	sadd.s32 $0x10, s20;
	v35 =	vadd.f32 v37, v35;
	v36 =	vmul.f32 v36, v31  }
0x9e: {  	v18 =	vadd.s32 v18, v33  }
0x9f: {  	v34 =	vmul.f32 v34, v32;
	v18 =	vand.u32 $0x7FF, v18;
	v35 =	vadd.f32 v36, v35  }
0xa0: {  	v15 =	vadd.s32 v15, v33  }
0xa1: {  	v15 =	vand.u32 $0x7FF, v15;
	v34 =	vadd.f32 v34, v35  }
0xa2: {  	v14 =	vadd.s32 v14, v33;
	s19 =	sadd.s32 $0x10, s19  }
0xa3: {  	v14 =	vand.u32 $0x7FF, v14;
	[tilespmem:s19+$0x0] =	vst v34  }
0xa4: {  	v13 =	vadd.s32 v13, v33;
	v18 =	vld.idx.msk [tilespmem:v18+s3+$0x0], $0xffff  }
0xa5: {  	v13 =	vand.u32 $0x7FF, v13  }
0xa6: {  	v12 =	vadd.s32 v12, v33;
	v15 =	vld.idx.msk [tilespmem:v15+s3+$0x0], $0xffff  }
0xa7: {  	v12 =	vand.u32 $0x7FF, v12  }
0xa8: {  	v11 =	vadd.s32 v11, v33;
	v14 =	vld.idx.msk [tilespmem:v14+s3+$0x0], $0xffff  }
0xa9: {  	v11 =	vand.u32 $0x7FF, v11;
	v18 =	vmul.f32 v18, v23  }
0xaa: {  	v10 =	vadd.s32 v10, v33;
	v13 =	vld.idx.msk [tilespmem:v13+s3+$0x0], $0xffff  }
0xab: {  	v10 =	vand.u32 $0x7FF, v10;
	v15 =	vmul.f32 v15, v21;
	v18 =	vadd.f32 $0.0e+00, v18  }
0xac: {  	v9 =	vadd.s32 v9, v33;
	v12 =	vld.idx.msk [tilespmem:v12+s3+$0x0], $0xffff  }
0xad: {  	v9 =	vand.u32 $0x7FF, v9;
	v14 =	vmul.f32 v14, v19;
	v15 =	vadd.f32 v15, v18  }
0xae: {  	v8 =	vadd.s32 v8, v33;
	v11 =	vld.idx.msk [tilespmem:v11+s3+$0x0], $0xffff  }
0xaf: {  	v8 =	vand.u32 $0x7FF, v8;
	v13 =	vmul.f32 v13, v16;
	v14 =	vadd.f32 v14, v15  }
0xb0: {  	v7 =	vadd.s32 v7, v33;
	v10 =	vld.idx.msk [tilespmem:v10+s3+$0x0], $0xffff  }
0xb1: {  	v7 =	vand.u32 $0x7FF, v7;
	v12 =	vmul.f32 v12, v17;
	v13 =	vadd.f32 v13, v14  }
0xb2: {  	v6 =	vadd.s32 v6, v33;
	v9 =	vld.idx.msk [tilespmem:v9+s3+$0x0], $0xffff  }
0xb3: {  	v6 =	vand.u32 $0x7FF, v6;
	v11 =	vmul.f32 v11, v20;
	v12 =	vadd.f32 v12, v13  }
0xb4: {  	v5 =	vadd.s32 v5, v33;
	v8 =	vld.idx.msk [tilespmem:v8+s3+$0x0], $0xffff  }
0xb5: {  	v5 =	vand.u32 $0x7FF, v5;
	v10 =	vmul.f32 v10, v22;
	v11 =	vadd.f32 v11, v12  }
0xb6: {  	v4 =	vadd.s32 v4, v33;
	v7 =	vld.idx.msk [tilespmem:v7+s3+$0x0], $0xffff  }
0xb7: {  	v4 =	vand.u32 $0x7FF, v4;
	v9 =	vmul.f32 v9, v24;
	v10 =	vadd.f32 v10, v11  }
0xb8: {  	v3 =	vadd.s32 v3, v33;
	v6 =	vld.idx.msk [tilespmem:v6+s3+$0x0], $0xffff  }
0xb9: {  	v3 =	vand.u32 $0x7FF, v3;
	v8 =	vmul.f32 v8, v25;
	v9 =	vadd.f32 v9, v10  }
0xba: {  	v2 =	vadd.s32 v2, v33;
	v5 =	vld.idx.msk [tilespmem:v5+s3+$0x0], $0xffff  }
0xbb: {  	v2 =	vand.u32 $0x7FF, v2;
	v7 =	vmul.f32 v7, v26;
	v8 =	vadd.f32 v8, v9  }
0xbc: {  	v1 =	vadd.s32 v1, v33;
	v4 =	vld.idx.msk [tilespmem:v4+s3+$0x0], $0xffff  }
0xbd: {  	v1 =	vand.u32 $0x7FF, v1;
	v6 =	vmul.f32 v6, v27;
	v7 =	vadd.f32 v7, v8  }
0xbe: {  	v3 =	vld.idx.msk [tilespmem:v3+s3+$0x0], $0xffff  }
0xbf: {  	v5 =	vmul.f32 v5, v28;
	v6 =	vadd.f32 v6, v7  }
0xc0: {  	v2 =	vld.idx.msk [tilespmem:v2+s3+$0x0], $0xffff  }
0xc1: {  	v4 =	vmul.f32 v4, v29;
	v5 =	vadd.f32 v5, v6  }
0xc2: {  	v1 =	vld.idx.msk [tilespmem:v1+s3+$0x0], $0xffff  }
0xc3: {  	v3 =	vmul.f32 v3, v30;
	v4 =	vadd.f32 v4, v5;
	_ =	sdelay $0x1  }
0xc4: {  	v2 =	vmul.f32 v2, v31;
	v3 =	vadd.f32 v3, v4;
	_ =	sdelay $0x1  }
0xc5: {  	v1 =	vmul.f32 v1, v32;
	v2 =	vadd.f32 v2, v3;
	_ =	sdelay $0x1  }
0xc6: {  	s17 =	sadd.s32 $0x1, s17;
	v1 =	vadd.f32 v1, v2  }
0xc7: {  	p0 =	sne.s32 s17, $0x8;
	s19 =	sadd.s32 $0x10, s19  }
.Ltmp1:
0xc8: {  	s18 =	sadd.s32 s6, s18;
	[tilespmem:s19+$0x0] =	vst v1;
	(pc) =	sbr.rel @p0 .LBB2_2-.Ltmp1, $4  }
0xc9: {  	[hbm4b:s18+s10] =	stream.strided.scatter [tilespmem:s15], [sflag:$0x1], $0x800, s11, s10, $0x38;
	[tilespmem:$0x1200] =	vst v63  }
0xca: {  	_ =	swait.ge [sflag:s12], $0x800  }
0xcb: {  	[sflag:s12] =	ssyncset.done $0x0  }
0xcc: {  	[sflag:s12] =	ssyncadd.s32 $0xFFFFF800  }
0xcd: {  	s16 =	sadd.s32 $0x1, s16  }
0xce: {  	p0 =	sne.s32 s16, s9  }
.Ltmp2:
0xcf: {  	_ = 	snop;
	(pc) =	sbr.rel @p0 .LBB2_1-.Ltmp2, $1  }
0xd0: {  	_ =	sdelay $0x3  }
0xd1: {  	_ =	sfence.sel $0x180000  }
0xd2: {  	[bflag:$0x0] =	sbarrier.arrive $0xFFFF  }
0xd3: {  	p0 =	sne.s32 s2, $0x0;
	_ =	strace $0x90000047  }
0xd4: {  	s0 =	sadd.s32 @!p0 $0x100000, s0;
	[bflag:$0x2] =	sbarrier.arrive $0xFFFF  }
0xd5: {  	[sflag:s0] =	ssyncadd.tile.s32 @!p0 $0x1;
	_ =	shalt  }
.Lfunc_end2:
_tile_overlayer_lowered:
.L_overlay_start_2:
0xd6: {  	(tag) =	ssettag $0x2  }
0xd7: {  	s0 =	rddreg [dreg:$0x0];
	s2 =	stileid.u32  }
0xd8: {  	s1 =	rddreg [dreg:$0x1];
	p0 =	sne.s32 s2, $0x0  }
0xd9: {  	s3 =	rddreg [dreg:$0x2];
	[bflag:$0x3] =	sbarrier.arrive $0xFFFF;
	s2 =	simm.s32 @!p0 $0x1C01  }
0xda: {  	[timem:s3], [sflag:s2] =	dma.local @!p0 [hbm:s0], s1  }
0xdb: {  	s0 =	simm.s32 @!p0 $0x1  }
0xdc: {  	_ =	swait.ge @!p0 [sflag:s0], s1  }
0xdd: {  	s1 =	ssub.s32 @!p0 $0x0, s1;
	[sflag:s0] =	ssyncset.done @!p0 $0x0  }
0xde: {  	[sflag:s0] =	ssyncadd.s32 @!p0 s1  }
0xdf: {  	[bflag:$0x3] =	sbarrier.arrive $0xFFFF  }
0xe0: {  	_ =	shalt  }

</sc_bundles>
